<compile_context>
chip_gen: v7x
topology: tpu7x:2x2x1
jax: 0.10.2.dev20260603
libtpu: 0.0.44.dev20260713+nightly
codegen_flags: <defaults>
</compile_context>

<pallas_src>
import functools

import jax
import jax.numpy as jnp
from jax import lax
from jax.experimental import pallas as pl
from jax.experimental.pallas import tpu as pltpu
from jax.experimental.pallas import tpu_sc as plsc

N = 10000
E = 320000
D = 128

NUM_CORES = 2
NUM_SUBCORES = 16
NUM_TILES = NUM_CORES * NUM_SUBCORES
CHUNK = 128
CHUNKS_PER_TILE = 80
E_PAD = NUM_TILES * CHUNKS_PER_TILE * CHUNK
IDX_GRP = 40
NUM_GRPS = CHUNKS_PER_TILE // IDX_GRP
ROWS_PER_TILE = 640
N_PAD = ROWS_PER_TILE * NUM_SUBCORES
WB_BLKS = ROWS_PER_TILE // CHUNK


def _sc_aggregate():
    mesh = plsc.VectorSubcoreMesh(core_axis_name="c", subcore_axis_name="s")

    @functools.partial(
        pl.kernel,
        mesh=mesh,
        out_type=jax.ShapeDtypeStruct((NUM_CORES, NUM_SUBCORES, ROWS_PER_TILE, D),
                                      jnp.float32),
        scratch_types=[
            pltpu.VMEM((IDX_GRP, CHUNK), jnp.int32),
            pltpu.VMEM((IDX_GRP, CHUNK), jnp.int32),
            pltpu.VMEM((CHUNK, D), jnp.float32),
            pltpu.VMEM((CHUNK, D), jnp.float32),
            pltpu.VMEM_SHARED((N_PAD, D), jnp.float32),
            pltpu.SemaphoreType.DMA,
            pltpu.SemaphoreType.DMA,
            pltpu.SemaphoreType.DMA,
            pltpu.SemaphoreType.DMA,
        ],
    )
    def sc_agg(src_hbm, dst_hbm, x_hbm, zeros_hbm, out_hbm,
               src_v, dst_v, rows0, rows1, acc_sh, gs0, gs1, ss0, ss1):
        cid = lax.axis_index("c")
        sid = lax.axis_index("s")
        wid = cid * NUM_SUBCORES + sid
        row_off = pl.multiple_of(sid * ROWS_PER_TILE, 8)

        pltpu.sync_copy(zeros_hbm, rows0)
        for j in range(WB_BLKS):
            pltpu.sync_copy(rows0, acc_sh.at[pl.ds(row_off + j * CHUNK, CHUNK)])
        plsc.subcore_barrier()

        bufs = (rows0, rows1)
        gsems = (gs0, gs1)
        ssems = (ss0, ss1)

        def sg(j, k):
            pltpu.async_copy(x_hbm.at[src_v.at[j]], bufs[k], gsems[k])

        def wg(k):
            pltpu.make_async_copy(zeros_hbm, bufs[k], gsems[k]).wait()

        def st(j, k):
            pltpu.async_copy(bufs[k], acc_sh.at[dst_v.at[j]], ssems[k], add=True)

        def ws(k):
            pltpu.make_async_copy(zeros_hbm, bufs[k], ssems[k]).wait()

        def group(grp, carry):
            goff = pl.multiple_of(grp * IDX_GRP, 8)
            pltpu.sync_copy(src_hbm.at[wid, pl.ds(goff, IDX_GRP)], src_v)
            pltpu.sync_copy(dst_hbm.at[wid, pl.ds(goff, IDX_GRP)], dst_v)

            sg(0, 0)
            sg(1, 1)

            def body(g, c):
                j = 2 * g
                wg(0)
                st(j, 0)
                wg(1)
                st(j + 1, 1)
                ws(0)
                sg(j + 2, 0)
                ws(1)
                sg(j + 3, 1)
                return c

            lax.fori_loop(0, IDX_GRP // 2 - 1, body, 0)
            last = IDX_GRP - 2
            wg(0)
            st(last, 0)
            wg(1)
            st(last + 1, 1)
            ws(0)
            ws(1)
            return carry

        lax.fori_loop(0, NUM_GRPS, group, 0)

        plsc.subcore_barrier()

        for j in range(WB_BLKS):
            pltpu.sync_copy(acc_sh.at[pl.ds(row_off + j * CHUNK, CHUNK)], rows0)
            pltpu.sync_copy(rows0, out_hbm.at[cid, sid, pl.ds(j * CHUNK, CHUNK)])

    return sc_agg


_SC_AGG = _sc_aggregate()


def _tc_fn(x_ref, a_ref, w_ref, b_ref, s_ref, o_ref):
    h = s_ref[0, 0] * x_ref[...] + a_ref[0] + a_ref[1]
    o = jnp.dot(h, w_ref[...], preferred_element_type=jnp.float32) + b_ref[...]
    o_ref[...] = jnp.maximum(o, 0.0)


ROW_BLK = 2000


def _tc_dense(x, partials, W, b2, scale):
    return pl.pallas_call(
        _tc_fn,
        grid=(N // ROW_BLK,),
        in_specs=[
            pl.BlockSpec((ROW_BLK, D), lambda i: (i, 0)),
            pl.BlockSpec((NUM_CORES, ROW_BLK, D), lambda i: (0, i, 0)),
            pl.BlockSpec((D, D), lambda i: (0, 0)),
            pl.BlockSpec((1, D), lambda i: (0, 0)),
            pl.BlockSpec(memory_space=pltpu.SMEM),
        ],
        out_specs=pl.BlockSpec((ROW_BLK, D), lambda i: (i, 0)),
        out_shape=jax.ShapeDtypeStruct((N, D), jnp.float32),
    )(x, partials, W, b2, scale)


def kernel(x, edge_index, W, b, eps):
    pad = E_PAD - E
    pad_src = jnp.arange(pad, dtype=jnp.int32) % N
    pad_dst = N + (jnp.arange(pad, dtype=jnp.int32) % (N_PAD - N))
    src = jnp.concatenate([edge_index[0], pad_src])
    dst = jnp.concatenate([edge_index[1], pad_dst])
    src = src.reshape(NUM_TILES, CHUNKS_PER_TILE, CHUNK)
    dst = dst.reshape(NUM_TILES, CHUNKS_PER_TILE, CHUNK)
    zeros = jnp.zeros((CHUNK, D), jnp.float32)
    partials = _SC_AGG(src, dst, x, zeros)
    partials = partials.reshape(NUM_CORES, N_PAD, D)
    scale = (1.0 + eps).astype(jnp.float32).reshape(1, 1)
    return _tc_dense(x, partials, W, b.reshape(1, D), scale)

# --- scband reference (transcript-rebuilt; emitter-appended) ---
"""Pipeline reference for scband-hetero-message-passing-layer-11373073400378 (READ-ONLY COPY).

The authoritative reference and input builder live on the scoring server;
editing this copy changes nothing except your own understanding.
"""

import jax, jax.numpy as jnp
import numpy as np

N = 10000
E = 320000
D = 128


def setup_inputs(seed: int = 0) -> dict:
    key = jax.random.key(seed)
    k1, k2, k3 = jax.random.split(key, 3)
    x = jax.random.normal(k1, (N, D), dtype=jnp.float32)
    edge_index = jax.random.randint(k2, (2, E), 0, N, dtype=jnp.int32)
    # GIN parameters: LazyLinear(output_dim) materialized as (D -> 128), plus trainable eps (train_eps=True)
    W = jax.random.normal(k3, (D, 128), dtype=jnp.float32) * (1.0 / np.sqrt(D))
    b = jnp.zeros((128,), dtype=jnp.float32)
    eps = jnp.zeros((), dtype=jnp.float32)
    return {"x": x, "edge_index": edge_index, "W": W, "b": b, "eps": eps}


def reference(x, edge_index, W, b, eps):
    # Single edge type ('node','to','node') with GIN message passing; HeteroConv(aggr='sum')
    # degenerates to the single conv output. GINConv: out_i = nn((1+eps)*x_i + sum_{j in N(i)} x_j)
    src = edge_index[0]
    dst = edge_index[1]
    msgs = jnp.take(x, src, axis=0)                       # gather source node features [E, D]
    agg = jax.ops.segment_sum(msgs, dst, num_segments=N)  # scatter-add to destination nodes [N, D]
    h = (1.0 + eps) * x + agg
    out = h @ W + b                                       # LazyLinear
    # norm=None -> Identity; then ReLU (dropout_rate stored but never applied in forward)
    out = jax.nn.relu(out)
    return out

if __name__ == "__main__":
    import jax
    _d = setup_inputs()
    print(jax.jit(kernel)(*tuple(_d.values())))

</pallas_src>

<mosaic_0001>
#map = affine_map<(d0, d1) -> (0, 0, 0)>
#map1 = affine_map<(d0, d1) -> (0, 0)>
#map2 = affine_map<(d0, d1) -> (0, 0, 0, 0)>
module attributes {stable_mosaic.version = 14 : i64} {
  func.func @sc_agg(%arg0: i32, %arg1: i32, %arg2: memref<32x80x128xi32, #tpu.memory_space<hbm>>, %arg3: memref<32x80x128xi32, #tpu.memory_space<hbm>>, %arg4: memref<10000x128xf32, #tpu.memory_space<hbm>>, %arg5: memref<128x128xf32, #tpu.memory_space<hbm>>, %arg6: memref<2x16x640x128xf32, #tpu.memory_space<hbm>>, %arg7: memref<40x128xi32, #tpu.memory_space<vmem>>, %arg8: memref<40x128xi32, #tpu.memory_space<vmem>>, %arg9: memref<128x128xf32, #tpu.memory_space<vmem>>, %arg10: memref<128x128xf32, #tpu.memory_space<vmem>>, %arg11: memref<10240x128xf32, #tpu.memory_space<vmem_shared>>, %arg12: memref<!tpu.dma_semaphore, #tpu.memory_space<semaphore_mem>>, %arg13: memref<!tpu.dma_semaphore, #tpu.memory_space<semaphore_mem>>, %arg14: memref<!tpu.dma_semaphore, #tpu.memory_space<semaphore_mem>>, %arg15: memref<!tpu.dma_semaphore, #tpu.memory_space<semaphore_mem>>) attributes {dimension_semantics = [#tpu.dimension_semantics<core_parallel>, #tpu.dimension_semantics<subcore_parallel>], iteration_bounds = array<i64: 2, 16>, scalar_prefetch = 0 : i64, scratch_operands = 9 : i64, tpu.core_type = #tpu.core_type<sc_vector_subcore>, window_params = [{transform_indices = #map}, {transform_indices = #map}, {transform_indices = #map1}, {transform_indices = #map1}, {transform_indices = #map2}]} {
    %mul3A = arith.constant 16 : i32
    %mul3A_0 = arith.muli %arg0, %mul3A : i32
    %add3A = arith.addi %mul3A_0, %arg1 : i32
    %mul3A_1 = arith.constant 640 : i32
    %mul3A_2 = arith.muli %arg1, %mul3A_1 : i32
    %multiple_of3A = tpu.assume_multiple %mul3A_2, 8 : i32
    "tpu.region"() ({
      %run_scoped3A = tpu.sem_alloc : memref<!tpu.dma_semaphore, #tpu.memory_space<semaphore_mem>>
      tpu.enqueue_dma source(%arg5 : memref<128x128xf32, #tpu.memory_space<hbm>>) target(%arg9 : memref<128x128xf32, #tpu.memory_space<vmem>>) target_semaphore(%run_scoped3A : memref<!tpu.dma_semaphore, #tpu.memory_space<semaphore_mem>>)
      tpu.wait_dma2 semaphore(%run_scoped3A : memref<!tpu.dma_semaphore, #tpu.memory_space<semaphore_mem>>) src(%arg5 : memref<128x128xf32, #tpu.memory_space<hbm>>) dst(%arg9 : memref<128x128xf32, #tpu.memory_space<vmem>>)
      tpu.yield
    }) : () -> ()
    %add3A_3 = arith.constant 0 : i32
    %add3A_4 = arith.addi %multiple_of3A, %add3A_3 : i32
    "tpu.region"() ({
      %run_scoped3A = tpu.sem_alloc : memref<!tpu.dma_semaphore, #tpu.memory_space<semaphore_mem>>
      %dma_start3A = arith.constant 0 : i32
      %dma_start3A_29 = tpu.memref_slice %arg11[%add3A_4, %dma_start3A] : memref<10240x128xf32, #tpu.memory_space<vmem_shared>> -> memref<128x128xf32, #tpu.memory_space<vmem_shared>>
      %dma_start3A_30 = arith.constant 0 : i32
      %dma_start3A_31 = tpu.memref_slice %arg11[%add3A_4, %dma_start3A_30] : memref<10240x128xf32, #tpu.memory_space<vmem_shared>> -> memref<128x128xf32, #tpu.memory_space<vmem_shared>>
      tpu.enqueue_dma source(%arg9 : memref<128x128xf32, #tpu.memory_space<vmem>>) target(%dma_start3A_31 : memref<128x128xf32, #tpu.memory_space<vmem_shared>>) target_semaphore(%run_scoped3A : memref<!tpu.dma_semaphore, #tpu.memory_space<semaphore_mem>>)
      %dma_wait3A = arith.constant 0 : i32
      %dma_wait3A_32 = tpu.memref_slice %arg11[%add3A_4, %dma_wait3A] : memref<10240x128xf32, #tpu.memory_space<vmem_shared>> -> memref<128x128xf32, #tpu.memory_space<vmem_shared>>
      %dma_wait3A_33 = arith.constant 0 : i32
      %dma_wait3A_34 = tpu.memref_slice %arg11[%add3A_4, %dma_wait3A_33] : memref<10240x128xf32, #tpu.memory_space<vmem_shared>> -> memref<128x128xf32, #tpu.memory_space<vmem_shared>>
      tpu.wait_dma2 semaphore(%run_scoped3A : memref<!tpu.dma_semaphore, #tpu.memory_space<semaphore_mem>>) src(%arg9 : memref<128x128xf32, #tpu.memory_space<vmem>>) dst(%dma_wait3A_34 : memref<128x128xf32, #tpu.memory_space<vmem_shared>>)
      tpu.yield
    }) : () -> ()
    %add3A_5 = arith.constant 128 : i32
    %add3A_6 = arith.addi %multiple_of3A, %add3A_5 : i32
    "tpu.region"() ({
      %run_scoped3A = tpu.sem_alloc : memref<!tpu.dma_semaphore, #tpu.memory_space<semaphore_mem>>
      %dma_start3A = arith.constant 0 : i32
      %dma_start3A_29 = tpu.memref_slice %arg11[%add3A_6, %dma_start3A] : memref<10240x128xf32, #tpu.memory_space<vmem_shared>> -> memref<128x128xf32, #tpu.memory_space<vmem_shared>>
      %dma_start3A_30 = arith.constant 0 : i32
      %dma_start3A_31 = tpu.memref_slice %arg11[%add3A_6, %dma_start3A_30] : memref<10240x128xf32, #tpu.memory_space<vmem_shared>> -> memref<128x128xf32, #tpu.memory_space<vmem_shared>>
      tpu.enqueue_dma source(%arg9 : memref<128x128xf32, #tpu.memory_space<vmem>>) target(%dma_start3A_31 : memref<128x128xf32, #tpu.memory_space<vmem_shared>>) target_semaphore(%run_scoped3A : memref<!tpu.dma_semaphore, #tpu.memory_space<semaphore_mem>>)
      %dma_wait3A = arith.constant 0 : i32
      %dma_wait3A_32 = tpu.memref_slice %arg11[%add3A_6, %dma_wait3A] : memref<10240x128xf32, #tpu.memory_space<vmem_shared>> -> memref<128x128xf32, #tpu.memory_space<vmem_shared>>
      %dma_wait3A_33 = arith.constant 0 : i32
      %dma_wait3A_34 = tpu.memref_slice %arg11[%add3A_6, %dma_wait3A_33] : memref<10240x128xf32, #tpu.memory_space<vmem_shared>> -> memref<128x128xf32, #tpu.memory_space<vmem_shared>>
      tpu.wait_dma2 semaphore(%run_scoped3A : memref<!tpu.dma_semaphore, #tpu.memory_space<semaphore_mem>>) src(%arg9 : memref<128x128xf32, #tpu.memory_space<vmem>>) dst(%dma_wait3A_34 : memref<128x128xf32, #tpu.memory_space<vmem_shared>>)
      tpu.yield
    }) : () -> ()
    %add3A_7 = arith.constant 256 : i32
    %add3A_8 = arith.addi %multiple_of3A, %add3A_7 : i32
    "tpu.region"() ({
      %run_scoped3A = tpu.sem_alloc : memref<!tpu.dma_semaphore, #tpu.memory_space<semaphore_mem>>
      %dma_start3A = arith.constant 0 : i32
      %dma_start3A_29 = tpu.memref_slice %arg11[%add3A_8, %dma_start3A] : memref<10240x128xf32, #tpu.memory_space<vmem_shared>> -> memref<128x128xf32, #tpu.memory_space<vmem_shared>>
      %dma_start3A_30 = arith.constant 0 : i32
      %dma_start3A_31 = tpu.memref_slice %arg11[%add3A_8, %dma_start3A_30] : memref<10240x128xf32, #tpu.memory_space<vmem_shared>> -> memref<128x128xf32, #tpu.memory_space<vmem_shared>>
      tpu.enqueue_dma source(%arg9 : memref<128x128xf32, #tpu.memory_space<vmem>>) target(%dma_start3A_31 : memref<128x128xf32, #tpu.memory_space<vmem_shared>>) target_semaphore(%run_scoped3A : memref<!tpu.dma_semaphore, #tpu.memory_space<semaphore_mem>>)
      %dma_wait3A = arith.constant 0 : i32
      %dma_wait3A_32 = tpu.memref_slice %arg11[%add3A_8, %dma_wait3A] : memref<10240x128xf32, #tpu.memory_space<vmem_shared>> -> memref<128x128xf32, #tpu.memory_space<vmem_shared>>
      %dma_wait3A_33 = arith.constant 0 : i32
      %dma_wait3A_34 = tpu.memref_slice %arg11[%add3A_8, %dma_wait3A_33] : memref<10240x128xf32, #tpu.memory_space<vmem_shared>> -> memref<128x128xf32, #tpu.memory_space<vmem_shared>>
      tpu.wait_dma2 semaphore(%run_scoped3A : memref<!tpu.dma_semaphore, #tpu.memory_space<semaphore_mem>>) src(%arg9 : memref<128x128xf32, #tpu.memory_space<vmem>>) dst(%dma_wait3A_34 : memref<128x128xf32, #tpu.memory_space<vmem_shared>>)
      tpu.yield
    }) : () -> ()
    %add3A_9 = arith.constant 384 : i32
    %add3A_10 = arith.addi %multiple_of3A, %add3A_9 : i32
    "tpu.region"() ({
      %run_scoped3A = tpu.sem_alloc : memref<!tpu.dma_semaphore, #tpu.memory_space<semaphore_mem>>
      %dma_start3A = arith.constant 0 : i32
      %dma_start3A_29 = tpu.memref_slice %arg11[%add3A_10, %dma_start3A] : memref<10240x128xf32, #tpu.memory_space<vmem_shared>> -> memref<128x128xf32, #tpu.memory_space<vmem_shared>>
      %dma_start3A_30 = arith.constant 0 : i32
      %dma_start3A_31 = tpu.memref_slice %arg11[%add3A_10, %dma_start3A_30] : memref<10240x128xf32, #tpu.memory_space<vmem_shared>> -> memref<128x128xf32, #tpu.memory_space<vmem_shared>>
      tpu.enqueue_dma source(%arg9 : memref<128x128xf32, #tpu.memory_space<vmem>>) target(%dma_start3A_31 : memref<128x128xf32, #tpu.memory_space<vmem_shared>>) target_semaphore(%run_scoped3A : memref<!tpu.dma_semaphore, #tpu.memory_space<semaphore_mem>>)
      %dma_wait3A = arith.constant 0 : i32
      %dma_wait3A_32 = tpu.memref_slice %arg11[%add3A_10, %dma_wait3A] : memref<10240x128xf32, #tpu.memory_space<vmem_shared>> -> memref<128x128xf32, #tpu.memory_space<vmem_shared>>
      %dma_wait3A_33 = arith.constant 0 : i32
      %dma_wait3A_34 = tpu.memref_slice %arg11[%add3A_10, %dma_wait3A_33] : memref<10240x128xf32, #tpu.memory_space<vmem_shared>> -> memref<128x128xf32, #tpu.memory_space<vmem_shared>>
      tpu.wait_dma2 semaphore(%run_scoped3A : memref<!tpu.dma_semaphore, #tpu.memory_space<semaphore_mem>>) src(%arg9 : memref<128x128xf32, #tpu.memory_space<vmem>>) dst(%dma_wait3A_34 : memref<128x128xf32, #tpu.memory_space<vmem_shared>>)
      tpu.yield
    }) : () -> ()
    %add3A_11 = arith.constant 512 : i32
    %add3A_12 = arith.addi %multiple_of3A, %add3A_11 : i32
    "tpu.region"() ({
      %run_scoped3A = tpu.sem_alloc : memref<!tpu.dma_semaphore, #tpu.memory_space<semaphore_mem>>
      %dma_start3A = arith.constant 0 : i32
      %dma_start3A_29 = tpu.memref_slice %arg11[%add3A_12, %dma_start3A] : memref<10240x128xf32, #tpu.memory_space<vmem_shared>> -> memref<128x128xf32, #tpu.memory_space<vmem_shared>>
      %dma_start3A_30 = arith.constant 0 : i32
      %dma_start3A_31 = tpu.memref_slice %arg11[%add3A_12, %dma_start3A_30] : memref<10240x128xf32, #tpu.memory_space<vmem_shared>> -> memref<128x128xf32, #tpu.memory_space<vmem_shared>>
      tpu.enqueue_dma source(%arg9 : memref<128x128xf32, #tpu.memory_space<vmem>>) target(%dma_start3A_31 : memref<128x128xf32, #tpu.memory_space<vmem_shared>>) target_semaphore(%run_scoped3A : memref<!tpu.dma_semaphore, #tpu.memory_space<semaphore_mem>>)
      %dma_wait3A = arith.constant 0 : i32
      %dma_wait3A_32 = tpu.memref_slice %arg11[%add3A_12, %dma_wait3A] : memref<10240x128xf32, #tpu.memory_space<vmem_shared>> -> memref<128x128xf32, #tpu.memory_space<vmem_shared>>
      %dma_wait3A_33 = arith.constant 0 : i32
      %dma_wait3A_34 = tpu.memref_slice %arg11[%add3A_12, %dma_wait3A_33] : memref<10240x128xf32, #tpu.memory_space<vmem_shared>> -> memref<128x128xf32, #tpu.memory_space<vmem_shared>>
      tpu.wait_dma2 semaphore(%run_scoped3A : memref<!tpu.dma_semaphore, #tpu.memory_space<semaphore_mem>>) src(%arg9 : memref<128x128xf32, #tpu.memory_space<vmem>>) dst(%dma_wait3A_34 : memref<128x128xf32, #tpu.memory_space<vmem_shared>>)
      tpu.yield
    }) : () -> ()
    %barrier3A = arith.constant 0 : index
    tpu.barrier barrier_id(%barrier3A)
    %scan3A = arith.constant 0 : i32
    %scan3A_13 = arith.constant 0 : i32
    %scan3A_14 = arith.constant 2 : i32
    %scan3A_15 = arith.addi %scan3A_13, %scan3A_14 : i32
    %scan3A_16 = arith.constant 1 : i32
    scf.for %scan3A_29 = %scan3A_13 to %scan3A_15 step %scan3A_16  : i32 {
      %mul3A_30 = arith.constant 40 : i32
      %mul3A_31 = arith.muli %scan3A_29, %mul3A_30 : i32
      %multiple_of3A_32 = tpu.assume_multiple %mul3A_31, 8 : i32
      "tpu.region"() ({
        %run_scoped3A = tpu.sem_alloc : memref<!tpu.dma_semaphore, #tpu.memory_space<semaphore_mem>>
        %dma_start3A_66 = arith.constant 0 : i32
        %dma_start3A_67 = tpu.memref_slice %arg2[%add3A, %multiple_of3A_32, %dma_start3A_66] : memref<32x80x128xi32, #tpu.memory_space<hbm>> -> memref<1x40x128xi32, #tpu.memory_space<hbm>>
        %dma_start3A_68 = tpu.memref_squeeze %dma_start3A_67 : memref<1x40x128xi32, #tpu.memory_space<hbm>> -> memref<40x128xi32, #tpu.memory_space<hbm>>
        %dma_start3A_69 = arith.constant 0 : i32
        %dma_start3A_70 = tpu.memref_slice %arg2[%add3A, %multiple_of3A_32, %dma_start3A_69] : memref<32x80x128xi32, #tpu.memory_space<hbm>> -> memref<1x40x128xi32, #tpu.memory_space<hbm>>
        %dma_start3A_71 = tpu.memref_squeeze %dma_start3A_70 : memref<1x40x128xi32, #tpu.memory_space<hbm>> -> memref<40x128xi32, #tpu.memory_space<hbm>>
        tpu.enqueue_dma source(%dma_start3A_71 : memref<40x128xi32, #tpu.memory_space<hbm>>) target(%arg7 : memref<40x128xi32, #tpu.memory_space<vmem>>) target_semaphore(%run_scoped3A : memref<!tpu.dma_semaphore, #tpu.memory_space<semaphore_mem>>)
        %dma_wait3A = arith.constant 0 : i32
        %dma_wait3A_72 = tpu.memref_slice %arg2[%add3A, %multiple_of3A_32, %dma_wait3A] : memref<32x80x128xi32, #tpu.memory_space<hbm>> -> memref<1x40x128xi32, #tpu.memory_space<hbm>>
        %dma_wait3A_73 = tpu.memref_squeeze %dma_wait3A_72 : memref<1x40x128xi32, #tpu.memory_space<hbm>> -> memref<40x128xi32, #tpu.memory_space<hbm>>
        %dma_wait3A_74 = arith.constant 0 : i32
        %dma_wait3A_75 = tpu.memref_slice %arg2[%add3A, %multiple_of3A_32, %dma_wait3A_74] : memref<32x80x128xi32, #tpu.memory_space<hbm>> -> memref<1x40x128xi32, #tpu.memory_space<hbm>>
        %dma_wait3A_76 = tpu.memref_squeeze %dma_wait3A_75 : memref<1x40x128xi32, #tpu.memory_space<hbm>> -> memref<40x128xi32, #tpu.memory_space<hbm>>
        tpu.wait_dma2 semaphore(%run_scoped3A : memref<!tpu.dma_semaphore, #tpu.memory_space<semaphore_mem>>) src(%dma_wait3A_76 : memref<40x128xi32, #tpu.memory_space<hbm>>) dst(%arg7 : memref<40x128xi32, #tpu.memory_space<vmem>>)
        tpu.yield
      }) : () -> ()
      "tpu.region"() ({
        %run_scoped3A = tpu.sem_alloc : memref<!tpu.dma_semaphore, #tpu.memory_space<semaphore_mem>>
        %dma_start3A_66 = arith.constant 0 : i32
        %dma_start3A_67 = tpu.memref_slice %arg3[%add3A, %multiple_of3A_32, %dma_start3A_66] : memref<32x80x128xi32, #tpu.memory_space<hbm>> -> memref<1x40x128xi32, #tpu.memory_space<hbm>>
        %dma_start3A_68 = tpu.memref_squeeze %dma_start3A_67 : memref<1x40x128xi32, #tpu.memory_space<hbm>> -> memref<40x128xi32, #tpu.memory_space<hbm>>
        %dma_start3A_69 = arith.constant 0 : i32
        %dma_start3A_70 = tpu.memref_slice %arg3[%add3A, %multiple_of3A_32, %dma_start3A_69] : memref<32x80x128xi32, #tpu.memory_space<hbm>> -> memref<1x40x128xi32, #tpu.memory_space<hbm>>
        %dma_start3A_71 = tpu.memref_squeeze %dma_start3A_70 : memref<1x40x128xi32, #tpu.memory_space<hbm>> -> memref<40x128xi32, #tpu.memory_space<hbm>>
        tpu.enqueue_dma source(%dma_start3A_71 : memref<40x128xi32, #tpu.memory_space<hbm>>) target(%arg8 : memref<40x128xi32, #tpu.memory_space<vmem>>) target_semaphore(%run_scoped3A : memref<!tpu.dma_semaphore, #tpu.memory_space<semaphore_mem>>)
        %dma_wait3A = arith.constant 0 : i32
        %dma_wait3A_72 = tpu.memref_slice %arg3[%add3A, %multiple_of3A_32, %dma_wait3A] : memref<32x80x128xi32, #tpu.memory_space<hbm>> -> memref<1x40x128xi32, #tpu.memory_space<hbm>>
        %dma_wait3A_73 = tpu.memref_squeeze %dma_wait3A_72 : memref<1x40x128xi32, #tpu.memory_space<hbm>> -> memref<40x128xi32, #tpu.memory_space<hbm>>
        %dma_wait3A_74 = arith.constant 0 : i32
        %dma_wait3A_75 = tpu.memref_slice %arg3[%add3A, %multiple_of3A_32, %dma_wait3A_74] : memref<32x80x128xi32, #tpu.memory_space<hbm>> -> memref<1x40x128xi32, #tpu.memory_space<hbm>>
        %dma_wait3A_76 = tpu.memref_squeeze %dma_wait3A_75 : memref<1x40x128xi32, #tpu.memory_space<hbm>> -> memref<40x128xi32, #tpu.memory_space<hbm>>
        tpu.wait_dma2 semaphore(%run_scoped3A : memref<!tpu.dma_semaphore, #tpu.memory_space<semaphore_mem>>) src(%dma_wait3A_76 : memref<40x128xi32, #tpu.memory_space<hbm>>) dst(%arg8 : memref<40x128xi32, #tpu.memory_space<vmem>>)
        tpu.yield
      }) : () -> ()
      %dma_start3A = arith.constant 0 : i32
      %dma_start3A_33 = arith.constant 0 : i32
      %dma_start3A_34 = tpu.memref_slice %arg7[%dma_start3A, %dma_start3A_33] : memref<40x128xi32, #tpu.memory_space<vmem>> -> memref<1x128xi32, #tpu.memory_space<vmem>>
      %dma_start3A_35 = tpu.memref_squeeze %dma_start3A_34 : memref<1x128xi32, #tpu.memory_space<vmem>> -> memref<128xi32, #tpu.memory_space<vmem>>
      %dma_start3A_36 = arith.constant 0 : i32
      %dma_start3A_37 = arith.constant 0 : i32
      %dma_start3A_38 = tpu.memref_slice %arg4[%dma_start3A_36, %dma_start3A_37] : memref<10000x128xf32, #tpu.memory_space<hbm>> -> memref<10000x128xf32, #tpu.memory_space<hbm>>
      tpu.enqueue_indirect_dma source(%dma_start3A_38 : memref<10000x128xf32, #tpu.memory_space<hbm>>) target(%arg9 : memref<128x128xf32, #tpu.memory_space<vmem>>) offsets(%dma_start3A_35 : memref<128xi32, #tpu.memory_space<vmem>>) semaphore(%arg12 : memref<!tpu.dma_semaphore, #tpu.memory_space<semaphore_mem>>)
      %dma_start3A_39 = arith.constant 1 : i32
      %dma_start3A_40 = arith.constant 0 : i32
      %dma_start3A_41 = tpu.memref_slice %arg7[%dma_start3A_39, %dma_start3A_40] : memref<40x128xi32, #tpu.memory_space<vmem>> -> memref<1x128xi32, #tpu.memory_space<vmem>>
      %dma_start3A_42 = tpu.memref_squeeze %dma_start3A_41 : memref<1x128xi32, #tpu.memory_space<vmem>> -> memref<128xi32, #tpu.memory_space<vmem>>
      %dma_start3A_43 = arith.constant 0 : i32
      %dma_start3A_44 = arith.constant 0 : i32
      %dma_start3A_45 = tpu.memref_slice %arg4[%dma_start3A_43, %dma_start3A_44] : memref<10000x128xf32, #tpu.memory_space<hbm>> -> memref<10000x128xf32, #tpu.memory_space<hbm>>
      tpu.enqueue_indirect_dma source(%dma_start3A_45 : memref<10000x128xf32, #tpu.memory_space<hbm>>) target(%arg10 : memref<128x128xf32, #tpu.memory_space<vmem>>) offsets(%dma_start3A_42 : memref<128xi32, #tpu.memory_space<vmem>>) semaphore(%arg13 : memref<!tpu.dma_semaphore, #tpu.memory_space<semaphore_mem>>)
      %scan3A_46 = arith.constant 0 : i32
      %scan3A_47 = arith.constant 0 : i32
      %scan3A_48 = arith.constant 19 : i32
      %scan3A_49 = arith.addi %scan3A_47, %scan3A_48 : i32
      %scan3A_50 = arith.constant 1 : i32
      scf.for %scan3A_66 = %scan3A_47 to %scan3A_49 step %scan3A_50  : i32 {
        %mul3A_67 = arith.constant 2 : i32
        %mul3A_68 = arith.muli %mul3A_67, %scan3A_66 : i32
        tpu.wait_dma2 semaphore(%arg12 : memref<!tpu.dma_semaphore, #tpu.memory_space<semaphore_mem>>) src(%arg5 : memref<128x128xf32, #tpu.memory_space<hbm>>) dst(%arg9 : memref<128x128xf32, #tpu.memory_space<vmem>>)
        %dma_start3A_69 = arith.constant 0 : i32
        %dma_start3A_70 = tpu.memref_slice %arg8[%mul3A_68, %dma_start3A_69] : memref<40x128xi32, #tpu.memory_space<vmem>> -> memref<1x128xi32, #tpu.memory_space<vmem>>
        %dma_start3A_71 = tpu.memref_squeeze %dma_start3A_70 : memref<1x128xi32, #tpu.memory_space<vmem>> -> memref<128xi32, #tpu.memory_space<vmem>>
        %dma_start3A_72 = arith.constant 0 : i32
        %dma_start3A_73 = arith.constant 0 : i32
        %dma_start3A_74 = tpu.memref_slice %arg11[%dma_start3A_72, %dma_start3A_73] : memref<10240x128xf32, #tpu.memory_space<vmem_shared>> -> memref<10240x128xf32, #tpu.memory_space<vmem_shared>>
        tpu.enqueue_indirect_dma source(%arg9 : memref<128x128xf32, #tpu.memory_space<vmem>>) target(%dma_start3A_74 : memref<10240x128xf32, #tpu.memory_space<vmem_shared>>) offsets(%dma_start3A_71 : memref<128xi32, #tpu.memory_space<vmem>>) semaphore(%arg14 : memref<!tpu.dma_semaphore, #tpu.memory_space<semaphore_mem>>) {add = true}
        tpu.wait_dma2 semaphore(%arg13 : memref<!tpu.dma_semaphore, #tpu.memory_space<semaphore_mem>>) src(%arg5 : memref<128x128xf32, #tpu.memory_space<hbm>>) dst(%arg10 : memref<128x128xf32, #tpu.memory_space<vmem>>)
        %add3A_75 = arith.constant 1 : i32
        %add3A_76 = arith.addi %mul3A_68, %add3A_75 : i32
        %dma_start3A_77 = arith.constant 0 : i32
        %dma_start3A_78 = tpu.memref_slice %arg8[%add3A_76, %dma_start3A_77] : memref<40x128xi32, #tpu.memory_space<vmem>> -> memref<1x128xi32, #tpu.memory_space<vmem>>
        %dma_start3A_79 = tpu.memref_squeeze %dma_start3A_78 : memref<1x128xi32, #tpu.memory_space<vmem>> -> memref<128xi32, #tpu.memory_space<vmem>>
        %dma_start3A_80 = arith.constant 0 : i32
        %dma_start3A_81 = arith.constant 0 : i32
        %dma_start3A_82 = tpu.memref_slice %arg11[%dma_start3A_80, %dma_start3A_81] : memref<10240x128xf32, #tpu.memory_space<vmem_shared>> -> memref<10240x128xf32, #tpu.memory_space<vmem_shared>>
        tpu.enqueue_indirect_dma source(%arg10 : memref<128x128xf32, #tpu.memory_space<vmem>>) target(%dma_start3A_82 : memref<10240x128xf32, #tpu.memory_space<vmem_shared>>) offsets(%dma_start3A_79 : memref<128xi32, #tpu.memory_space<vmem>>) semaphore(%arg15 : memref<!tpu.dma_semaphore, #tpu.memory_space<semaphore_mem>>) {add = true}
        tpu.wait_dma2 semaphore(%arg14 : memref<!tpu.dma_semaphore, #tpu.memory_space<semaphore_mem>>) src(%arg5 : memref<128x128xf32, #tpu.memory_space<hbm>>) dst(%arg9 : memref<128x128xf32, #tpu.memory_space<vmem>>)
        %add3A_83 = arith.constant 2 : i32
        %add3A_84 = arith.addi %mul3A_68, %add3A_83 : i32
        %dma_start3A_85 = arith.constant 0 : i32
        %dma_start3A_86 = tpu.memref_slice %arg7[%add3A_84, %dma_start3A_85] : memref<40x128xi32, #tpu.memory_space<vmem>> -> memref<1x128xi32, #tpu.memory_space<vmem>>
        %dma_start3A_87 = tpu.memref_squeeze %dma_start3A_86 : memref<1x128xi32, #tpu.memory_space<vmem>> -> memref<128xi32, #tpu.memory_space<vmem>>
        %dma_start3A_88 = arith.constant 0 : i32
        %dma_start3A_89 = arith.constant 0 : i32
        %dma_start3A_90 = tpu.memref_slice %arg4[%dma_start3A_88, %dma_start3A_89] : memref<10000x128xf32, #tpu.memory_space<hbm>> -> memref<10000x128xf32, #tpu.memory_space<hbm>>
        tpu.enqueue_indirect_dma source(%dma_start3A_90 : memref<10000x128xf32, #tpu.memory_space<hbm>>) target(%arg9 : memref<128x128xf32, #tpu.memory_space<vmem>>) offsets(%dma_start3A_87 : memref<128xi32, #tpu.memory_space<vmem>>) semaphore(%arg12 : memref<!tpu.dma_semaphore, #tpu.memory_space<semaphore_mem>>)
        tpu.wait_dma2 semaphore(%arg15 : memref<!tpu.dma_semaphore, #tpu.memory_space<semaphore_mem>>) src(%arg5 : memref<128x128xf32, #tpu.memory_space<hbm>>) dst(%arg10 : memref<128x128xf32, #tpu.memory_space<vmem>>)
        %add3A_91 = arith.constant 3 : i32
        %add3A_92 = arith.addi %mul3A_68, %add3A_91 : i32
        %dma_start3A_93 = arith.constant 0 : i32
        %dma_start3A_94 = tpu.memref_slice %arg7[%add3A_92, %dma_start3A_93] : memref<40x128xi32, #tpu.memory_space<vmem>> -> memref<1x128xi32, #tpu.memory_space<vmem>>
        %dma_start3A_95 = tpu.memref_squeeze %dma_start3A_94 : memref<1x128xi32, #tpu.memory_space<vmem>> -> memref<128xi32, #tpu.memory_space<vmem>>
        %dma_start3A_96 = arith.constant 0 : i32
        %dma_start3A_97 = arith.constant 0 : i32
        %dma_start3A_98 = tpu.memref_slice %arg4[%dma_start3A_96, %dma_start3A_97] : memref<10000x128xf32, #tpu.memory_space<hbm>> -> memref<10000x128xf32, #tpu.memory_space<hbm>>
        tpu.enqueue_indirect_dma source(%dma_start3A_98 : memref<10000x128xf32, #tpu.memory_space<hbm>>) target(%arg10 : memref<128x128xf32, #tpu.memory_space<vmem>>) offsets(%dma_start3A_95 : memref<128xi32, #tpu.memory_space<vmem>>) semaphore(%arg13 : memref<!tpu.dma_semaphore, #tpu.memory_space<semaphore_mem>>)
      }
      %scan3A_51 = arith.constant 19 : i32
      tpu.wait_dma2 semaphore(%arg12 : memref<!tpu.dma_semaphore, #tpu.memory_space<semaphore_mem>>) src(%arg5 : memref<128x128xf32, #tpu.memory_space<hbm>>) dst(%arg9 : memref<128x128xf32, #tpu.memory_space<vmem>>)
      %dma_start3A_52 = arith.constant 38 : i32
      %dma_start3A_53 = arith.constant 0 : i32
      %dma_start3A_54 = tpu.memref_slice %arg8[%dma_start3A_52, %dma_start3A_53] : memref<40x128xi32, #tpu.memory_space<vmem>> -> memref<1x128xi32, #tpu.memory_space<vmem>>
      %dma_start3A_55 = tpu.memref_squeeze %dma_start3A_54 : memref<1x128xi32, #tpu.memory_space<vmem>> -> memref<128xi32, #tpu.memory_space<vmem>>
      %dma_start3A_56 = arith.constant 0 : i32
      %dma_start3A_57 = arith.constant 0 : i32
      %dma_start3A_58 = tpu.memref_slice %arg11[%dma_start3A_56, %dma_start3A_57] : memref<10240x128xf32, #tpu.memory_space<vmem_shared>> -> memref<10240x128xf32, #tpu.memory_space<vmem_shared>>
      tpu.enqueue_indirect_dma source(%arg9 : memref<128x128xf32, #tpu.memory_space<vmem>>) target(%dma_start3A_58 : memref<10240x128xf32, #tpu.memory_space<vmem_shared>>) offsets(%dma_start3A_55 : memref<128xi32, #tpu.memory_space<vmem>>) semaphore(%arg14 : memref<!tpu.dma_semaphore, #tpu.memory_space<semaphore_mem>>) {add = true}
      tpu.wait_dma2 semaphore(%arg13 : memref<!tpu.dma_semaphore, #tpu.memory_space<semaphore_mem>>) src(%arg5 : memref<128x128xf32, #tpu.memory_space<hbm>>) dst(%arg10 : memref<128x128xf32, #tpu.memory_space<vmem>>)
      %dma_start3A_59 = arith.constant 39 : i32
      %dma_start3A_60 = arith.constant 0 : i32
      %dma_start3A_61 = tpu.memref_slice %arg8[%dma_start3A_59, %dma_start3A_60] : memref<40x128xi32, #tpu.memory_space<vmem>> -> memref<1x128xi32, #tpu.memory_space<vmem>>
      %dma_start3A_62 = tpu.memref_squeeze %dma_start3A_61 : memref<1x128xi32, #tpu.memory_space<vmem>> -> memref<128xi32, #tpu.memory_space<vmem>>
      %dma_start3A_63 = arith.constant 0 : i32
      %dma_start3A_64 = arith.constant 0 : i32
      %dma_start3A_65 = tpu.memref_slice %arg11[%dma_start3A_63, %dma_start3A_64] : memref<10240x128xf32, #tpu.memory_space<vmem_shared>> -> memref<10240x128xf32, #tpu.memory_space<vmem_shared>>
      tpu.enqueue_indirect_dma source(%arg10 : memref<128x128xf32, #tpu.memory_space<vmem>>) target(%dma_start3A_65 : memref<10240x128xf32, #tpu.memory_space<vmem_shared>>) offsets(%dma_start3A_62 : memref<128xi32, #tpu.memory_space<vmem>>) semaphore(%arg15 : memref<!tpu.dma_semaphore, #tpu.memory_space<semaphore_mem>>) {add = true}
      tpu.wait_dma2 semaphore(%arg14 : memref<!tpu.dma_semaphore, #tpu.memory_space<semaphore_mem>>) src(%arg5 : memref<128x128xf32, #tpu.memory_space<hbm>>) dst(%arg9 : memref<128x128xf32, #tpu.memory_space<vmem>>)
      tpu.wait_dma2 semaphore(%arg15 : memref<!tpu.dma_semaphore, #tpu.memory_space<semaphore_mem>>) src(%arg5 : memref<128x128xf32, #tpu.memory_space<hbm>>) dst(%arg10 : memref<128x128xf32, #tpu.memory_space<vmem>>)
    }
    %scan3A_17 = arith.constant 2 : i32
    %barrier3A_18 = arith.constant 0 : index
    tpu.barrier barrier_id(%barrier3A_18)
    %add3A_19 = arith.constant 0 : i32
    %add3A_20 = arith.addi %multiple_of3A, %add3A_19 : i32
    "tpu.region"() ({
      %run_scoped3A = tpu.sem_alloc : memref<!tpu.dma_semaphore, #tpu.memory_space<semaphore_mem>>
      %dma_start3A = arith.constant 0 : i32
      %dma_start3A_29 = tpu.memref_slice %arg11[%add3A_20, %dma_start3A] : memref<10240x128xf32, #tpu.memory_space<vmem_shared>> -> memref<128x128xf32, #tpu.memory_space<vmem_shared>>
      %dma_start3A_30 = arith.constant 0 : i32
      %dma_start3A_31 = tpu.memref_slice %arg11[%add3A_20, %dma_start3A_30] : memref<10240x128xf32, #tpu.memory_space<vmem_shared>> -> memref<128x128xf32, #tpu.memory_space<vmem_shared>>
      tpu.enqueue_dma source(%dma_start3A_31 : memref<128x128xf32, #tpu.memory_space<vmem_shared>>) target(%arg9 : memref<128x128xf32, #tpu.memory_space<vmem>>) target_semaphore(%run_scoped3A : memref<!tpu.dma_semaphore, #tpu.memory_space<semaphore_mem>>)
      %dma_wait3A = arith.constant 0 : i32
      %dma_wait3A_32 = tpu.memref_slice %arg11[%add3A_20, %dma_wait3A] : memref<10240x128xf32, #tpu.memory_space<vmem_shared>> -> memref<128x128xf32, #tpu.memory_space<vmem_shared>>
      %dma_wait3A_33 = arith.constant 0 : i32
      %dma_wait3A_34 = tpu.memref_slice %arg11[%add3A_20, %dma_wait3A_33] : memref<10240x128xf32, #tpu.memory_space<vmem_shared>> -> memref<128x128xf32, #tpu.memory_space<vmem_shared>>
      tpu.wait_dma2 semaphore(%run_scoped3A : memref<!tpu.dma_semaphore, #tpu.memory_space<semaphore_mem>>) src(%dma_wait3A_34 : memref<128x128xf32, #tpu.memory_space<vmem_shared>>) dst(%arg9 : memref<128x128xf32, #tpu.memory_space<vmem>>)
      tpu.yield
    }) : () -> ()
    "tpu.region"() ({
      %run_scoped3A = tpu.sem_alloc : memref<!tpu.dma_semaphore, #tpu.memory_space<semaphore_mem>>
      %dma_start3A = arith.constant 0 : i32
      %dma_start3A_29 = arith.constant 0 : i32
      %dma_start3A_30 = tpu.memref_slice %arg6[%arg0, %arg1, %dma_start3A, %dma_start3A_29] : memref<2x16x640x128xf32, #tpu.memory_space<hbm>> -> memref<1x1x128x128xf32, #tpu.memory_space<hbm>>
      %dma_start3A_31 = tpu.memref_squeeze %dma_start3A_30 : memref<1x1x128x128xf32, #tpu.memory_space<hbm>> -> memref<128x128xf32, #tpu.memory_space<hbm>>
      %dma_start3A_32 = arith.constant 0 : i32
      %dma_start3A_33 = arith.constant 0 : i32
      %dma_start3A_34 = tpu.memref_slice %arg6[%arg0, %arg1, %dma_start3A_32, %dma_start3A_33] : memref<2x16x640x128xf32, #tpu.memory_space<hbm>> -> memref<1x1x128x128xf32, #tpu.memory_space<hbm>>
      %dma_start3A_35 = tpu.memref_squeeze %dma_start3A_34 : memref<1x1x128x128xf32, #tpu.memory_space<hbm>> -> memref<128x128xf32, #tpu.memory_space<hbm>>
      tpu.enqueue_dma source(%arg9 : memref<128x128xf32, #tpu.memory_space<vmem>>) target(%dma_start3A_35 : memref<128x128xf32, #tpu.memory_space<hbm>>) target_semaphore(%run_scoped3A : memref<!tpu.dma_semaphore, #tpu.memory_space<semaphore_mem>>)
      %dma_wait3A = arith.constant 0 : i32
      %dma_wait3A_36 = arith.constant 0 : i32
      %dma_wait3A_37 = tpu.memref_slice %arg6[%arg0, %arg1, %dma_wait3A, %dma_wait3A_36] : memref<2x16x640x128xf32, #tpu.memory_space<hbm>> -> memref<1x1x128x128xf32, #tpu.memory_space<hbm>>
      %dma_wait3A_38 = tpu.memref_squeeze %dma_wait3A_37 : memref<1x1x128x128xf32, #tpu.memory_space<hbm>> -> memref<128x128xf32, #tpu.memory_space<hbm>>
      %dma_wait3A_39 = arith.constant 0 : i32
      %dma_wait3A_40 = arith.constant 0 : i32
      %dma_wait3A_41 = tpu.memref_slice %arg6[%arg0, %arg1, %dma_wait3A_39, %dma_wait3A_40] : memref<2x16x640x128xf32, #tpu.memory_space<hbm>> -> memref<1x1x128x128xf32, #tpu.memory_space<hbm>>
      %dma_wait3A_42 = tpu.memref_squeeze %dma_wait3A_41 : memref<1x1x128x128xf32, #tpu.memory_space<hbm>> -> memref<128x128xf32, #tpu.memory_space<hbm>>
      tpu.wait_dma2 semaphore(%run_scoped3A : memref<!tpu.dma_semaphore, #tpu.memory_space<semaphore_mem>>) src(%arg9 : memref<128x128xf32, #tpu.memory_space<vmem>>) dst(%dma_wait3A_42 : memref<128x128xf32, #tpu.memory_space<hbm>>)
      tpu.yield
    }) : () -> ()
    %add3A_21 = arith.constant 128 : i32
    %add3A_22 = arith.addi %multiple_of3A, %add3A_21 : i32
    "tpu.region"() ({
      %run_scoped3A = tpu.sem_alloc : memref<!tpu.dma_semaphore, #tpu.memory_space<semaphore_mem>>
      %dma_start3A = arith.constant 0 : i32
      %dma_start3A_29 = tpu.memref_slice %arg11[%add3A_22, %dma_start3A] : memref<10240x128xf32, #tpu.memory_space<vmem_shared>> -> memref<128x128xf32, #tpu.memory_space<vmem_shared>>
      %dma_start3A_30 = arith.constant 0 : i32
      %dma_start3A_31 = tpu.memref_slice %arg11[%add3A_22, %dma_start3A_30] : memref<10240x128xf32, #tpu.memory_space<vmem_shared>> -> memref<128x128xf32, #tpu.memory_space<vmem_shared>>
      tpu.enqueue_dma source(%dma_start3A_31 : memref<128x128xf32, #tpu.memory_space<vmem_shared>>) target(%arg9 : memref<128x128xf32, #tpu.memory_space<vmem>>) target_semaphore(%run_scoped3A : memref<!tpu.dma_semaphore, #tpu.memory_space<semaphore_mem>>)
      %dma_wait3A = arith.constant 0 : i32
      %dma_wait3A_32 = tpu.memref_slice %arg11[%add3A_22, %dma_wait3A] : memref<10240x128xf32, #tpu.memory_space<vmem_shared>> -> memref<128x128xf32, #tpu.memory_space<vmem_shared>>
      %dma_wait3A_33 = arith.constant 0 : i32
      %dma_wait3A_34 = tpu.memref_slice %arg11[%add3A_22, %dma_wait3A_33] : memref<10240x128xf32, #tpu.memory_space<vmem_shared>> -> memref<128x128xf32, #tpu.memory_space<vmem_shared>>
      tpu.wait_dma2 semaphore(%run_scoped3A : memref<!tpu.dma_semaphore, #tpu.memory_space<semaphore_mem>>) src(%dma_wait3A_34 : memref<128x128xf32, #tpu.memory_space<vmem_shared>>) dst(%arg9 : memref<128x128xf32, #tpu.memory_space<vmem>>)
      tpu.yield
    }) : () -> ()
    "tpu.region"() ({
      %run_scoped3A = tpu.sem_alloc : memref<!tpu.dma_semaphore, #tpu.memory_space<semaphore_mem>>
      %dma_start3A = arith.constant 128 : i32
      %dma_start3A_29 = arith.constant 0 : i32
      %dma_start3A_30 = tpu.memref_slice %arg6[%arg0, %arg1, %dma_start3A, %dma_start3A_29] : memref<2x16x640x128xf32, #tpu.memory_space<hbm>> -> memref<1x1x128x128xf32, #tpu.memory_space<hbm>>
      %dma_start3A_31 = tpu.memref_squeeze %dma_start3A_30 : memref<1x1x128x128xf32, #tpu.memory_space<hbm>> -> memref<128x128xf32, #tpu.memory_space<hbm>>
      %dma_start3A_32 = arith.constant 128 : i32
      %dma_start3A_33 = arith.constant 0 : i32
      %dma_start3A_34 = tpu.memref_slice %arg6[%arg0, %arg1, %dma_start3A_32, %dma_start3A_33] : memref<2x16x640x128xf32, #tpu.memory_space<hbm>> -> memref<1x1x128x128xf32, #tpu.memory_space<hbm>>
      %dma_start3A_35 = tpu.memref_squeeze %dma_start3A_34 : memref<1x1x128x128xf32, #tpu.memory_space<hbm>> -> memref<128x128xf32, #tpu.memory_space<hbm>>
      tpu.enqueue_dma source(%arg9 : memref<128x128xf32, #tpu.memory_space<vmem>>) target(%dma_start3A_35 : memref<128x128xf32, #tpu.memory_space<hbm>>) target_semaphore(%run_scoped3A : memref<!tpu.dma_semaphore, #tpu.memory_space<semaphore_mem>>)
      %dma_wait3A = arith.constant 128 : i32
      %dma_wait3A_36 = arith.constant 0 : i32
      %dma_wait3A_37 = tpu.memref_slice %arg6[%arg0, %arg1, %dma_wait3A, %dma_wait3A_36] : memref<2x16x640x128xf32, #tpu.memory_space<hbm>> -> memref<1x1x128x128xf32, #tpu.memory_space<hbm>>
      %dma_wait3A_38 = tpu.memref_squeeze %dma_wait3A_37 : memref<1x1x128x128xf32, #tpu.memory_space<hbm>> -> memref<128x128xf32, #tpu.memory_space<hbm>>
      %dma_wait3A_39 = arith.constant 128 : i32
      %dma_wait3A_40 = arith.constant 0 : i32
      %dma_wait3A_41 = tpu.memref_slice %arg6[%arg0, %arg1, %dma_wait3A_39, %dma_wait3A_40] : memref<2x16x640x128xf32, #tpu.memory_space<hbm>> -> memref<1x1x128x128xf32, #tpu.memory_space<hbm>>
      %dma_wait3A_42 = tpu.memref_squeeze %dma_wait3A_41 : memref<1x1x128x128xf32, #tpu.memory_space<hbm>> -> memref<128x128xf32, #tpu.memory_space<hbm>>
      tpu.wait_dma2 semaphore(%run_scoped3A : memref<!tpu.dma_semaphore, #tpu.memory_space<semaphore_mem>>) src(%arg9 : memref<128x128xf32, #tpu.memory_space<vmem>>) dst(%dma_wait3A_42 : memref<128x128xf32, #tpu.memory_space<hbm>>)
      tpu.yield
    }) : () -> ()
    %add3A_23 = arith.constant 256 : i32
    %add3A_24 = arith.addi %multiple_of3A, %add3A_23 : i32
    "tpu.region"() ({
      %run_scoped3A = tpu.sem_alloc : memref<!tpu.dma_semaphore, #tpu.memory_space<semaphore_mem>>
      %dma_start3A = arith.constant 0 : i32
      %dma_start3A_29 = tpu.memref_slice %arg11[%add3A_24, %dma_start3A] : memref<10240x128xf32, #tpu.memory_space<vmem_shared>> -> memref<128x128xf32, #tpu.memory_space<vmem_shared>>
      %dma_start3A_30 = arith.constant 0 : i32
      %dma_start3A_31 = tpu.memref_slice %arg11[%add3A_24, %dma_start3A_30] : memref<10240x128xf32, #tpu.memory_space<vmem_shared>> -> memref<128x128xf32, #tpu.memory_space<vmem_shared>>
      tpu.enqueue_dma source(%dma_start3A_31 : memref<128x128xf32, #tpu.memory_space<vmem_shared>>) target(%arg9 : memref<128x128xf32, #tpu.memory_space<vmem>>) target_semaphore(%run_scoped3A : memref<!tpu.dma_semaphore, #tpu.memory_space<semaphore_mem>>)
      %dma_wait3A = arith.constant 0 : i32
      %dma_wait3A_32 = tpu.memref_slice %arg11[%add3A_24, %dma_wait3A] : memref<10240x128xf32, #tpu.memory_space<vmem_shared>> -> memref<128x128xf32, #tpu.memory_space<vmem_shared>>
      %dma_wait3A_33 = arith.constant 0 : i32
      %dma_wait3A_34 = tpu.memref_slice %arg11[%add3A_24, %dma_wait3A_33] : memref<10240x128xf32, #tpu.memory_space<vmem_shared>> -> memref<128x128xf32, #tpu.memory_space<vmem_shared>>
      tpu.wait_dma2 semaphore(%run_scoped3A : memref<!tpu.dma_semaphore, #tpu.memory_space<semaphore_mem>>) src(%dma_wait3A_34 : memref<128x128xf32, #tpu.memory_space<vmem_shared>>) dst(%arg9 : memref<128x128xf32, #tpu.memory_space<vmem>>)
      tpu.yield
    }) : () -> ()
    "tpu.region"() ({
      %run_scoped3A = tpu.sem_alloc : memref<!tpu.dma_semaphore, #tpu.memory_space<semaphore_mem>>
      %dma_start3A = arith.constant 256 : i32
      %dma_start3A_29 = arith.constant 0 : i32
      %dma_start3A_30 = tpu.memref_slice %arg6[%arg0, %arg1, %dma_start3A, %dma_start3A_29] : memref<2x16x640x128xf32, #tpu.memory_space<hbm>> -> memref<1x1x128x128xf32, #tpu.memory_space<hbm>>
      %dma_start3A_31 = tpu.memref_squeeze %dma_start3A_30 : memref<1x1x128x128xf32, #tpu.memory_space<hbm>> -> memref<128x128xf32, #tpu.memory_space<hbm>>
      %dma_start3A_32 = arith.constant 256 : i32
      %dma_start3A_33 = arith.constant 0 : i32
      %dma_start3A_34 = tpu.memref_slice %arg6[%arg0, %arg1, %dma_start3A_32, %dma_start3A_33] : memref<2x16x640x128xf32, #tpu.memory_space<hbm>> -> memref<1x1x128x128xf32, #tpu.memory_space<hbm>>
      %dma_start3A_35 = tpu.memref_squeeze %dma_start3A_34 : memref<1x1x128x128xf32, #tpu.memory_space<hbm>> -> memref<128x128xf32, #tpu.memory_space<hbm>>
      tpu.enqueue_dma source(%arg9 : memref<128x128xf32, #tpu.memory_space<vmem>>) target(%dma_start3A_35 : memref<128x128xf32, #tpu.memory_space<hbm>>) target_semaphore(%run_scoped3A : memref<!tpu.dma_semaphore, #tpu.memory_space<semaphore_mem>>)
      %dma_wait3A = arith.constant 256 : i32
      %dma_wait3A_36 = arith.constant 0 : i32
      %dma_wait3A_37 = tpu.memref_slice %arg6[%arg0, %arg1, %dma_wait3A, %dma_wait3A_36] : memref<2x16x640x128xf32, #tpu.memory_space<hbm>> -> memref<1x1x128x128xf32, #tpu.memory_space<hbm>>
      %dma_wait3A_38 = tpu.memref_squeeze %dma_wait3A_37 : memref<1x1x128x128xf32, #tpu.memory_space<hbm>> -> memref<128x128xf32, #tpu.memory_space<hbm>>
      %dma_wait3A_39 = arith.constant 256 : i32
      %dma_wait3A_40 = arith.constant 0 : i32
      %dma_wait3A_41 = tpu.memref_slice %arg6[%arg0, %arg1, %dma_wait3A_39, %dma_wait3A_40] : memref<2x16x640x128xf32, #tpu.memory_space<hbm>> -> memref<1x1x128x128xf32, #tpu.memory_space<hbm>>
      %dma_wait3A_42 = tpu.memref_squeeze %dma_wait3A_41 : memref<1x1x128x128xf32, #tpu.memory_space<hbm>> -> memref<128x128xf32, #tpu.memory_space<hbm>>
      tpu.wait_dma2 semaphore(%run_scoped3A : memref<!tpu.dma_semaphore, #tpu.memory_space<semaphore_mem>>) src(%arg9 : memref<128x128xf32, #tpu.memory_space<vmem>>) dst(%dma_wait3A_42 : memref<128x128xf32, #tpu.memory_space<hbm>>)
      tpu.yield
    }) : () -> ()
    %add3A_25 = arith.constant 384 : i32
    %add3A_26 = arith.addi %multiple_of3A, %add3A_25 : i32
    "tpu.region"() ({
      %run_scoped3A = tpu.sem_alloc : memref<!tpu.dma_semaphore, #tpu.memory_space<semaphore_mem>>
      %dma_start3A = arith.constant 0 : i32
      %dma_start3A_29 = tpu.memref_slice %arg11[%add3A_26, %dma_start3A] : memref<10240x128xf32, #tpu.memory_space<vmem_shared>> -> memref<128x128xf32, #tpu.memory_space<vmem_shared>>
      %dma_start3A_30 = arith.constant 0 : i32
      %dma_start3A_31 = tpu.memref_slice %arg11[%add3A_26, %dma_start3A_30] : memref<10240x128xf32, #tpu.memory_space<vmem_shared>> -> memref<128x128xf32, #tpu.memory_space<vmem_shared>>
      tpu.enqueue_dma source(%dma_start3A_31 : memref<128x128xf32, #tpu.memory_space<vmem_shared>>) target(%arg9 : memref<128x128xf32, #tpu.memory_space<vmem>>) target_semaphore(%run_scoped3A : memref<!tpu.dma_semaphore, #tpu.memory_space<semaphore_mem>>)
      %dma_wait3A = arith.constant 0 : i32
      %dma_wait3A_32 = tpu.memref_slice %arg11[%add3A_26, %dma_wait3A] : memref<10240x128xf32, #tpu.memory_space<vmem_shared>> -> memref<128x128xf32, #tpu.memory_space<vmem_shared>>
      %dma_wait3A_33 = arith.constant 0 : i32
      %dma_wait3A_34 = tpu.memref_slice %arg11[%add3A_26, %dma_wait3A_33] : memref<10240x128xf32, #tpu.memory_space<vmem_shared>> -> memref<128x128xf32, #tpu.memory_space<vmem_shared>>
      tpu.wait_dma2 semaphore(%run_scoped3A : memref<!tpu.dma_semaphore, #tpu.memory_space<semaphore_mem>>) src(%dma_wait3A_34 : memref<128x128xf32, #tpu.memory_space<vmem_shared>>) dst(%arg9 : memref<128x128xf32, #tpu.memory_space<vmem>>)
      tpu.yield
    }) : () -> ()
    "tpu.region"() ({
      %run_scoped3A = tpu.sem_alloc : memref<!tpu.dma_semaphore, #tpu.memory_space<semaphore_mem>>
      %dma_start3A = arith.constant 384 : i32
      %dma_start3A_29 = arith.constant 0 : i32
      %dma_start3A_30 = tpu.memref_slice %arg6[%arg0, %arg1, %dma_start3A, %dma_start3A_29] : memref<2x16x640x128xf32, #tpu.memory_space<hbm>> -> memref<1x1x128x128xf32, #tpu.memory_space<hbm>>
      %dma_start3A_31 = tpu.memref_squeeze %dma_start3A_30 : memref<1x1x128x128xf32, #tpu.memory_space<hbm>> -> memref<128x128xf32, #tpu.memory_space<hbm>>
      %dma_start3A_32 = arith.constant 384 : i32
      %dma_start3A_33 = arith.constant 0 : i32
      %dma_start3A_34 = tpu.memref_slice %arg6[%arg0, %arg1, %dma_start3A_32, %dma_start3A_33] : memref<2x16x640x128xf32, #tpu.memory_space<hbm>> -> memref<1x1x128x128xf32, #tpu.memory_space<hbm>>
      %dma_start3A_35 = tpu.memref_squeeze %dma_start3A_34 : memref<1x1x128x128xf32, #tpu.memory_space<hbm>> -> memref<128x128xf32, #tpu.memory_space<hbm>>
      tpu.enqueue_dma source(%arg9 : memref<128x128xf32, #tpu.memory_space<vmem>>) target(%dma_start3A_35 : memref<128x128xf32, #tpu.memory_space<hbm>>) target_semaphore(%run_scoped3A : memref<!tpu.dma_semaphore, #tpu.memory_space<semaphore_mem>>)
      %dma_wait3A = arith.constant 384 : i32
      %dma_wait3A_36 = arith.constant 0 : i32
      %dma_wait3A_37 = tpu.memref_slice %arg6[%arg0, %arg1, %dma_wait3A, %dma_wait3A_36] : memref<2x16x640x128xf32, #tpu.memory_space<hbm>> -> memref<1x1x128x128xf32, #tpu.memory_space<hbm>>
      %dma_wait3A_38 = tpu.memref_squeeze %dma_wait3A_37 : memref<1x1x128x128xf32, #tpu.memory_space<hbm>> -> memref<128x128xf32, #tpu.memory_space<hbm>>
      %dma_wait3A_39 = arith.constant 384 : i32
      %dma_wait3A_40 = arith.constant 0 : i32
      %dma_wait3A_41 = tpu.memref_slice %arg6[%arg0, %arg1, %dma_wait3A_39, %dma_wait3A_40] : memref<2x16x640x128xf32, #tpu.memory_space<hbm>> -> memref<1x1x128x128xf32, #tpu.memory_space<hbm>>
      %dma_wait3A_42 = tpu.memref_squeeze %dma_wait3A_41 : memref<1x1x128x128xf32, #tpu.memory_space<hbm>> -> memref<128x128xf32, #tpu.memory_space<hbm>>
      tpu.wait_dma2 semaphore(%run_scoped3A : memref<!tpu.dma_semaphore, #tpu.memory_space<semaphore_mem>>) src(%arg9 : memref<128x128xf32, #tpu.memory_space<vmem>>) dst(%dma_wait3A_42 : memref<128x128xf32, #tpu.memory_space<hbm>>)
      tpu.yield
    }) : () -> ()
    %add3A_27 = arith.constant 512 : i32
    %add3A_28 = arith.addi %multiple_of3A, %add3A_27 : i32
    "tpu.region"() ({
      %run_scoped3A = tpu.sem_alloc : memref<!tpu.dma_semaphore, #tpu.memory_space<semaphore_mem>>
      %dma_start3A = arith.constant 0 : i32
      %dma_start3A_29 = tpu.memref_slice %arg11[%add3A_28, %dma_start3A] : memref<10240x128xf32, #tpu.memory_space<vmem_shared>> -> memref<128x128xf32, #tpu.memory_space<vmem_shared>>
      %dma_start3A_30 = arith.constant 0 : i32
      %dma_start3A_31 = tpu.memref_slice %arg11[%add3A_28, %dma_start3A_30] : memref<10240x128xf32, #tpu.memory_space<vmem_shared>> -> memref<128x128xf32, #tpu.memory_space<vmem_shared>>
      tpu.enqueue_dma source(%dma_start3A_31 : memref<128x128xf32, #tpu.memory_space<vmem_shared>>) target(%arg9 : memref<128x128xf32, #tpu.memory_space<vmem>>) target_semaphore(%run_scoped3A : memref<!tpu.dma_semaphore, #tpu.memory_space<semaphore_mem>>)
      %dma_wait3A = arith.constant 0 : i32
      %dma_wait3A_32 = tpu.memref_slice %arg11[%add3A_28, %dma_wait3A] : memref<10240x128xf32, #tpu.memory_space<vmem_shared>> -> memref<128x128xf32, #tpu.memory_space<vmem_shared>>
      %dma_wait3A_33 = arith.constant 0 : i32
      %dma_wait3A_34 = tpu.memref_slice %arg11[%add3A_28, %dma_wait3A_33] : memref<10240x128xf32, #tpu.memory_space<vmem_shared>> -> memref<128x128xf32, #tpu.memory_space<vmem_shared>>
      tpu.wait_dma2 semaphore(%run_scoped3A : memref<!tpu.dma_semaphore, #tpu.memory_space<semaphore_mem>>) src(%dma_wait3A_34 : memref<128x128xf32, #tpu.memory_space<vmem_shared>>) dst(%arg9 : memref<128x128xf32, #tpu.memory_space<vmem>>)
      tpu.yield
    }) : () -> ()
    "tpu.region"() ({
      %run_scoped3A = tpu.sem_alloc : memref<!tpu.dma_semaphore, #tpu.memory_space<semaphore_mem>>
      %dma_start3A = arith.constant 512 : i32
      %dma_start3A_29 = arith.constant 0 : i32
      %dma_start3A_30 = tpu.memref_slice %arg6[%arg0, %arg1, %dma_start3A, %dma_start3A_29] : memref<2x16x640x128xf32, #tpu.memory_space<hbm>> -> memref<1x1x128x128xf32, #tpu.memory_space<hbm>>
      %dma_start3A_31 = tpu.memref_squeeze %dma_start3A_30 : memref<1x1x128x128xf32, #tpu.memory_space<hbm>> -> memref<128x128xf32, #tpu.memory_space<hbm>>
      %dma_start3A_32 = arith.constant 512 : i32
      %dma_start3A_33 = arith.constant 0 : i32
      %dma_start3A_34 = tpu.memref_slice %arg6[%arg0, %arg1, %dma_start3A_32, %dma_start3A_33] : memref<2x16x640x128xf32, #tpu.memory_space<hbm>> -> memref<1x1x128x128xf32, #tpu.memory_space<hbm>>
      %dma_start3A_35 = tpu.memref_squeeze %dma_start3A_34 : memref<1x1x128x128xf32, #tpu.memory_space<hbm>> -> memref<128x128xf32, #tpu.memory_space<hbm>>
      tpu.enqueue_dma source(%arg9 : memref<128x128xf32, #tpu.memory_space<vmem>>) target(%dma_start3A_35 : memref<128x128xf32, #tpu.memory_space<hbm>>) target_semaphore(%run_scoped3A : memref<!tpu.dma_semaphore, #tpu.memory_space<semaphore_mem>>)
      %dma_wait3A = arith.constant 512 : i32
      %dma_wait3A_36 = arith.constant 0 : i32
      %dma_wait3A_37 = tpu.memref_slice %arg6[%arg0, %arg1, %dma_wait3A, %dma_wait3A_36] : memref<2x16x640x128xf32, #tpu.memory_space<hbm>> -> memref<1x1x128x128xf32, #tpu.memory_space<hbm>>
      %dma_wait3A_38 = tpu.memref_squeeze %dma_wait3A_37 : memref<1x1x128x128xf32, #tpu.memory_space<hbm>> -> memref<128x128xf32, #tpu.memory_space<hbm>>
      %dma_wait3A_39 = arith.constant 512 : i32
      %dma_wait3A_40 = arith.constant 0 : i32
      %dma_wait3A_41 = tpu.memref_slice %arg6[%arg0, %arg1, %dma_wait3A_39, %dma_wait3A_40] : memref<2x16x640x128xf32, #tpu.memory_space<hbm>> -> memref<1x1x128x128xf32, #tpu.memory_space<hbm>>
      %dma_wait3A_42 = tpu.memref_squeeze %dma_wait3A_41 : memref<1x1x128x128xf32, #tpu.memory_space<hbm>> -> memref<128x128xf32, #tpu.memory_space<hbm>>
      tpu.wait_dma2 semaphore(%run_scoped3A : memref<!tpu.dma_semaphore, #tpu.memory_space<semaphore_mem>>) src(%arg9 : memref<128x128xf32, #tpu.memory_space<vmem>>) dst(%dma_wait3A_42 : memref<128x128xf32, #tpu.memory_space<hbm>>)
      tpu.yield
    }) : () -> ()
    return
  }
}

module attributes {stable_mosaic.version = 14 : i64} {
  func.func @_tc_fn(%arg0: i32, %arg1: memref<2000x128xf32, #tpu.memory_space<vmem>>, %arg2: memref<2x2000x128xf32, #tpu.memory_space<vmem>>, %arg3: memref<128x128xf32, #tpu.memory_space<vmem>>, %arg4: memref<1x128xf32, #tpu.memory_space<vmem>>, %arg5: memref<1x1xf32, #tpu.memory_space<smem>>, %arg6: memref<2000x128xf32, #tpu.memory_space<vmem>>) attributes {dimension_semantics = [#tpu.dimension_semantics<arbitrary>], iteration_bounds = array<i64: 5>, scalar_prefetch = 0 : i64, scratch_operands = 0 : i64, tpu.core_type = #tpu.core_type<tc>, window_params = [{transform_indices = @transform_0, window_bounds = array<i64: 2000, 128>}, {transform_indices = @transform_1, window_bounds = array<i64: 2, 2000, 128>}, {pipeline_mode = #tpu.pipeline_mode<synchronous>, transform_indices = @transform_2, window_bounds = array<i64: 128, 128>}, {pipeline_mode = #tpu.pipeline_mode<synchronous>, transform_indices = @transform_3, window_bounds = array<i64: 1, 128>}, {transform_indices = @transform_4, window_bounds = array<i64: 1, 1>}, {transform_indices = @transform_5, window_bounds = array<i64: 2000, 128>}]} {
    %get3A = arith.constant 0 : index
    %get3A_0 = arith.constant 0 : index
    %get3A_1 = memref.load %arg5[%get3A, %get3A_0] : memref<1x1xf32, #tpu.memory_space<smem>>
    %get3A_2 = arith.constant 0 : index
    %get3A_3 = arith.constant 0 : index
    %get3A_4 = vector.load %arg1[%get3A_2, %get3A_3] : memref<2000x128xf32, #tpu.memory_space<vmem>>, vector<2000x128xf32>
    %mul3A = vector.broadcast %get3A_1 : f32 to vector<2000x128xf32>
    %mul3A_5 = arith.mulf %mul3A, %get3A_4 : vector<2000x128xf32>
    %get3A_6 = arith.constant 0 : index
    %get3A_7 = arith.constant 0 : index
    %get3A_8 = arith.constant 0 : index
    %get3A_9 = vector.load %arg2[%get3A_6, %get3A_7, %get3A_8] : memref<2x2000x128xf32, #tpu.memory_space<vmem>>, vector<1x2000x128xf32>
    %get3A_10 = vector.shape_cast %get3A_9 : vector<1x2000x128xf32> to vector<2000x128xf32>
    %add3A = arith.addf %mul3A_5, %get3A_10 : vector<2000x128xf32>
    %get3A_11 = arith.constant 1 : index
    %get3A_12 = arith.constant 0 : index
    %get3A_13 = arith.constant 0 : index
    %get3A_14 = vector.load %arg2[%get3A_11, %get3A_12, %get3A_13] : memref<2x2000x128xf32, #tpu.memory_space<vmem>>, vector<1x2000x128xf32>
    %get3A_15 = vector.shape_cast %get3A_14 : vector<1x2000x128xf32> to vector<2000x128xf32>
    %add3A_16 = arith.addf %add3A, %get3A_15 : vector<2000x128xf32>
    %get3A_17 = arith.constant 0 : index
    %get3A_18 = arith.constant 0 : index
    %get3A_19 = vector.load %arg3[%get3A_17, %get3A_18] : memref<128x128xf32, #tpu.memory_space<vmem>>, vector<128x128xf32>
    %dot_general3A = arith.constant dense<0.000000e+00> : vector<2000x128xf32>
    %dot_general3A_20 = tpu.matmul %add3A_16, %get3A_19, %dot_general3A {dimension_numbers = #tpu.dot_dimension_numbers<[1], [0], [0], [1], [0, 0, 1, 1], [], []>, transpose_lhs_hint = false} : vector<2000x128xf32>, vector<128x128xf32>, vector<2000x128xf32> -> vector<2000x128xf32>
    %get3A_21 = arith.constant 0 : index
    %get3A_22 = arith.constant 0 : index
    %get3A_23 = vector.load %arg4[%get3A_21, %get3A_22] : memref<1x128xf32, #tpu.memory_space<vmem>>, vector<1x128xf32>
    %add3A_24 = vector.broadcast %get3A_23 : vector<1x128xf32> to vector<2000x128xf32>
    %add3A_25 = arith.addf %dot_general3A_20, %add3A_24 : vector<2000x128xf32>
    %max3A = arith.constant 0.000000e+00 : f32
    %max3A_26 = vector.broadcast %max3A : f32 to vector<2000x128xf32>
    %max3A_27 = arith.maximumf %add3A_25, %max3A_26 : vector<2000x128xf32>
    %swap3A = arith.constant 0 : index
    %swap3A_28 = arith.constant 0 : index
    %swap3A_29 = vector.load %arg6[%swap3A, %swap3A_28] : memref<2000x128xf32, #tpu.memory_space<vmem>>, vector<2000x128xf32>
    tpu.vector_store %arg6[%swap3A, %swap3A_28], %max3A_27 {strides = array<i32>} : memref<2000x128xf32, #tpu.memory_space<vmem>>, vector<2000x128xf32>,
    return
  }
  func.func @transform_0(%arg0: i32) -> (i32, i32) {
    %c0_i32 = arith.constant 0 : i32
    %c0_i32_0 = arith.constant 0 : i32
    return %arg0, %c0_i32 : i32, i32
  }
  func.func @transform_1(%arg0: i32) -> (i32, i32, i32) {
    %c0_i32 = arith.constant 0 : i32
    %c0_i32_0 = arith.constant 0 : i32
    %c0_i32_1 = arith.constant 0 : i32
    return %c0_i32, %arg0, %c0_i32_0 : i32, i32, i32
  }
  func.func @transform_2(%arg0: i32) -> (i32, i32) {
    %c0_i32 = arith.constant 0 : i32
    %c0_i32_0 = arith.constant 0 : i32
    %c0_i32_1 = arith.constant 0 : i32
    return %c0_i32, %c0_i32_0 : i32, i32
  }
  func.func @transform_3(%arg0: i32) -> (i32, i32) {
    %c0_i32 = arith.constant 0 : i32
    %c0_i32_0 = arith.constant 0 : i32
    %c0_i32_1 = arith.constant 0 : i32
    return %c0_i32, %c0_i32_0 : i32, i32
  }
  func.func @transform_4(%arg0: i32) -> (i32, i32) {
    %c0_i32 = arith.constant 0 : i32
    %c0_i32_0 = arith.constant 0 : i32
    %c0_i32_1 = arith.constant 0 : i32
    return %c0_i32, %c0_i32_0 : i32, i32
  }
  func.func @transform_5(%arg0: i32) -> (i32, i32) {
    %c0_i32 = arith.constant 0 : i32
    %c0_i32_0 = arith.constant 0 : i32
    return %arg0, %c0_i32 : i32, i32
  }
}

</mosaic_0001>

<sc_bundles>
// kernel: kernel.4.cloned.1.call-start
scs
__scs_entry_jumppad:
0x0: {  	(pc) =	sbr.rel $0x88, $3  }
0x1: {  	(tag) =	ssettag $0x0;
	lr =	simm.s32 $0x1  }
0x2: {  	[smem:$0x3F9C] =	sst lr;
	_ =	strace $0xD0000000  }
0x3: {  	_ = 	snop  }
0x4: {  	_ = 	snop  }
0x5: {  	_ = 	snop  }
0x6: {  	_ = 	snop  }
0x7: {  	_ = 	snop  }
__scs_overlays_trampoline_lowered:
0x8: {  	[smem:$0x3FAB] =	sst s0  }
0x9: {  	[smem:$0x3FAC] =	sst s1  }
0xa: {  	[smem:$0x3FAD] =	sst s2  }
0xb: {  	[smem:$0x3FAE] =	sst s3  }
0xc: {  	[smem:$0x3FAF] =	sst s4  }
0xd: {  	[smem:$0x3FB0] =	sst s5  }
0xe: {  	[smem:$0x3FB1] =	sst s6  }
0xf: {  	[smem:$0x3FB2] =	sst s7  }
0x10: {  	[smem:$0x3FB3] =	sst s8  }
0x11: {  	[smem:$0x3FB4] =	sst s9;
	s0 =	simm.s32 @!p0 $0x0  }
0x12: {  	s1 =	sld [smem:$0x3F9A];
	s0 =	simm.s32 @p0 $0x1  }
0x13: {  	[smem:$0x3FB5] =	sst s0;
	s0 =	simm.s32 @!p1 $0x0  }
0x14: {  	s2 =	sld [smem:$0x3F99];
	s0 =	simm.s32 @p1 $0x1  }
0x15: {  	[smem:$0x3FB6] =	sst s0;
	s0 =	simm.s32 @!p2 $0x0  }
0x16: {  	s3 =	sld [smem:$0x3FDB];
	s0 =	simm.s32 @p2 $0x1  }
0x17: {  	s4 =	simm.s32 $0x1BF5;
	[smem:$0x3FB8] =	sst s0  }
0x18: {  	s0 =	sld [smem:$0x3F9B];
	_ =	swait.ge [sflag:s4], $0x0  }
0x19: {  	s7 =	sld [smem:$0x3F9C]  }
0x1a: {  	s8 =	sadd.s32 $0xFFFFE003, lr  }
0x1b: {  	s9 =	sadd.s32 $0xFFFFFEF7, lr;
	s5 =	simm.s32 $0xFFFFFFFF;
	p2 =	slt.u32 s8, $0xFFFFF086  }
0x1c: {  	p1 =	slt.u32 s9, $0xF7A;
	s5 =	simm.s32 @!p2 $0x0  }
0x1d: {  	s5 =	simm.s32 @p1 $0x1;
	p0 =	seq.s32 s7, s2  }
0x1e: {  	s7 =	smul.u32 @!p0 $0xF7A, s2;
	p2 =	seq.s32 @!p0 s5, $0x0  }
0x1f: {  	s9 =	smul.u32 $0xF7A, s1;
	s8 =	simm.s32 @!p0 $0x1BF5;
	p2 =	por !p2, p0  }
0x20: {  	[sflag:s8] =	ssyncset.s32 @!p0 $0xFFFFF086;
	s6 =	sadd.s32 @!p0 s3, s7;
	s7 =	simm.s32 @!p0 $0x108  }
0x21: {  	s3 =	sadd.s32 s3, s9;
	s6 =	sadd.s32 @!p0 $0x88, s6;
	s7 =	simm.s32 @p2 $0x1082  }
0x22: {  	[simem:s7], [sflag:s8] =	dma.local @!p0 [hbm:s6], $0xF7A  }
0x23: {  	s9 =	sor.u32 $0xD0000000, s2;
	s6 =	simm.s32 $0x108;
	_ =	swait.ge @!p0 [sflag:s8], $0x0  }
0x24: {  	s3 =	sadd.s32 $0x88, s3;
	s6 =	simm.s32 @!p1 $0x1082;
	[sflag:s4] =	ssyncset.s32 $0xFFFFF086  }
0x25: {  	[simem:s6], [sflag:s4] =	dma.local [hbm:s3], $0xF7A  }
0x26: {  	[smem:$0x3F9C] =	sst s1;
	(tag) =	ssettag s2;
	_ =	strace s9  }
0x27: {  	s1 =	sld [smem:$0x3FAC]  }
0x28: {  	s2 =	sld [smem:$0x3FAD]  }
0x29: {  	s4 =	sld [smem:$0x3FAF]  }
0x2a: {  	p0 =	seq.s32 s5, $0x0;
	s5 =	sld [smem:$0x3FB0]  }
0x2b: {  	s6 =	sld [smem:$0x3FB1]  }
0x2c: {  	s7 =	sld [smem:$0x3FB2]  }
0x2d: {  	s3 =	simm.s32 $0x108;
	s8 =	sld [smem:$0x3FB3]  }
0x2e: {  	s3 =	simm.s32 @!p0 $0x1082;
	s9 =	sld [smem:$0x3FB4]  }
0x2f: {  	lr =	sadd.s32 s0, s3;
	s0 =	sld [smem:$0x3FAB]  }
0x30: {  	s3 =	sld [smem:$0x3FAE]  }
0x31: {  	[smem:$0x3FB7] =	sst s10  }
0x32: {  	s10 =	sld [smem:$0x3FB5];
	_ =	sdelay $0x3  }
0x33: {  	p0 =	seq.s32 s10, $0x1;
	s10 =	sld [smem:$0x3FB7];
	_ =	sdelay $0x3  }
0x34: {  	[smem:$0x3FB7] =	sst s10  }
0x35: {  	s10 =	sld [smem:$0x3FB6];
	_ =	sdelay $0x3  }
0x36: {  	p1 =	seq.s32 s10, $0x1;
	s10 =	sld [smem:$0x3FB7];
	_ =	sdelay $0x3  }
0x37: {  	[smem:$0x3FB7] =	sst s10  }
0x38: {  	s10 =	sld [smem:$0x3FB8]  }
0x39: {  	_ = 	snop;
	(pc) =	sbr.ind lr, $3  }
0x3a: {  	_ = 	snop  }
0x3b: {  	_ = 	snop  }
0x3c: {  	p2 =	seq.s32 s10, $0x1;
	s10 =	sld [smem:$0x3FB7]  }
0x3d: {  	_ =	shalt  }
0x3e: {  	_ =	shalt  }
0x3f: {  	_ =	shalt  }
0x40: {  	_ =	shalt  }
0x41: {  	_ =	shalt  }
0x42: {  	_ =	shalt  }
0x43: {  	_ =	shalt  }
0x44: {  	_ =	shalt  }
0x45: {  	_ =	shalt  }
0x46: {  	_ =	shalt  }
0x47: {  	_ =	shalt  }
0x48: {  	_ =	shalt  }
0x49: {  	_ =	shalt  }
0x4a: {  	_ =	shalt  }
0x4b: {  	_ =	shalt  }
0x4c: {  	_ =	shalt  }
0x4d: {  	_ =	shalt  }
0x4e: {  	_ =	shalt  }
0x4f: {  	_ =	shalt  }
0x50: {  	_ =	shalt  }
0x51: {  	_ =	shalt  }
0x52: {  	_ =	shalt  }
0x53: {  	_ =	shalt  }
0x54: {  	_ =	shalt  }
0x55: {  	_ =	shalt  }
0x56: {  	_ =	shalt  }
0x57: {  	_ =	shalt  }
0x58: {  	_ =	shalt  }
0x59: {  	_ =	shalt  }
0x5a: {  	_ =	shalt  }
0x5b: {  	_ =	shalt  }
0x5c: {  	_ =	shalt  }
0x5d: {  	_ =	shalt  }
0x5e: {  	_ =	shalt  }
0x5f: {  	_ =	shalt  }
0x60: {  	_ =	shalt  }
0x61: {  	_ =	shalt  }
0x62: {  	_ =	shalt  }
0x63: {  	_ =	shalt  }
0x64: {  	_ =	shalt  }
0x65: {  	_ =	shalt  }
0x66: {  	_ =	shalt  }
0x67: {  	_ =	shalt  }
0x68: {  	_ =	shalt  }
0x69: {  	_ =	shalt  }
0x6a: {  	_ =	shalt  }
0x6b: {  	_ =	shalt  }
0x6c: {  	_ =	shalt  }
0x6d: {  	_ =	shalt  }
0x6e: {  	_ =	shalt  }
0x6f: {  	_ =	shalt  }
0x70: {  	_ =	shalt  }
0x71: {  	_ =	shalt  }
0x72: {  	_ =	shalt  }
0x73: {  	_ =	shalt  }
0x74: {  	_ =	shalt  }
0x75: {  	_ =	shalt  }
0x76: {  	_ =	shalt  }
0x77: {  	_ =	shalt  }
0x78: {  	_ =	shalt  }
0x79: {  	_ =	shalt  }
0x7a: {  	_ =	shalt  }
0x7b: {  	_ =	shalt  }
0x7c: {  	_ =	shalt  }
0x7d: {  	_ =	shalt  }
0x7e: {  	_ =	shalt  }
0x7f: {  	_ =	shalt  }
0x80: {  	_ =	shalt  }
0x81: {  	_ =	shalt  }
0x82: {  	_ =	shalt  }
0x83: {  	_ =	shalt  }
0x84: {  	_ =	shalt  }
0x85: {  	_ =	shalt  }
0x86: {  	_ =	shalt  }
0x87: {  	_ =	shalt  }
.Lfunc_end0:
.L_simem_size_0:
called_computation_lowered:
.L_overlay_start_0:
0x88: {  	s2 =	sld [smem:$0x3FD9]  }
0x89: {  	s3 =	sld [smem:$0x3FFE];
	_ =	sdelay $0x1  }
0x8a: {  	s1 =	srdreg.scid  }
0x8b: {  	s0 =	sand.u32 $0x1, s1  }
0x8c: {  	s17 =	sshll.u32 s0, $0xA;
	s2 =	sadd.s32 s3, s2  }
0x8d: {  	s2 =	sadd.s32 s2, s17  }
0x8e: {  	[smem:$0x3FC3] =	sst s2  }
0x8f: {  	_ = 	snop  }
0x90: {  	s2 =	sld [smem:$0x3FC9]  }
0x91: {  	s18 =	sld [smem:$0x3FD0];
	(tm) =	ssettm $0x1  }
0x92: {  	s4 =	sld [smem:$0x3FFB];
	_ =	sdelay $0x3  }
0x93: {  	_ =	strace s4  }
0x94: {  	s4 =	sld [smem:$0x3FFC];
	_ =	sdelay $0x3  }
0x95: {  	_ =	strace s4  }
0x96: {  	s4 =	sld [smem:$0x3FFD];
	_ =	sdelay $0x3  }
0x97: {  	_ =	strace s4  }
0x98: {  	_ =	strace $0x8FFFFFFF  }
0x99: {  	s19 =	sld [smem:$0x3FDB];
	_ =	sdelay $0x1  }
0x9a: {  	s5 =	simm.s32 $_scs_section_size  }
0x9b: {  	s6 =	simm.s32 $_size__tile_overlayer_lowered;
	s7 =	simm.s32 $_tile_overlayer_lowered  }
0x9c: {  	s22 =	simm.s32 $0x1BFF;
	s21 =	sshll.u32 s7, $0x1;
	s4 =	sadd.s32 s5, s19  }
0x9d: {  	s8 =	simm.s32 $0x0;
	s20 =	sshll.u32 s6, $0x1;
	s6 =	sadd.s32 s21, s4  }
0x9e: {  	[timem:s8], [sflag:s22] =	dma.local [hbm:s6], s20  }
0x9f: {  	_ =	swait.ge [sflag:s22], s20  }
0xa0: {  	s5 =	ssub.s32 $0x0, s20;
	[sflag:s22] =	ssyncset.done $0x0  }
0xa1: {  	[sflag:s22] =	ssyncadd.s32 s5;
	_ =	sdelay $0x1  }
0xa2: {  	s23 =	simm.s32 $0x1B8B  }
0xa3: {  	_ =	swait.ge [sflag:s23], $0x1  }
0xa4: {  	[sflag:s23] =	ssyncset.done $0x0  }
0xa5: {  	s25 =	simm.s32 $0x1B8E;
	s24 =	sld [smem:$0x3FFE];
	[sflag:s23] =	ssyncadd.s32 $0xFFFFFFFF  }
0xa6: {  	s26 =	simm.s32 $execute0_lowered;
	[smem:$0x3FD2] =	sst s25  }
0xa7: {  	s6 =	sshll.u32 s26, $0x1;
	_ =	strace $0x80000046;
	[dreg:$0x1] =	wrdreg $0xFFFFFFFF  }
0xa8: {  	s28 =	simm.s32 $_size_execute0_lowered;
	s4 =	sadd.s32 s4, s6;
	[dreg:$0x0] =	wrdreg $0x0  }
0xa9: {  	s6 =	sshll.u32 s28, $0x1;
	[dreg:$0x2] =	wrdreg s4  }
0xaa: {  	[dreg:$0x3] =	wrdreg s6  }
0xab: {  	[dreg:$0x4] =	wrdreg $0xC0  }
0xac: {  	_ =	task [dreg:s8], $0x5FFFF  }
0xad: {  	[dreg:$0x1] =	wrdreg $0xFFFFFFFF  }
0xae: {  	[dreg:$0x0] =	wrdreg $0x60  }
0xaf: {  	[dreg:$0x2] =	wrdreg s18  }
0xb0: {  	[dreg:$0x3] =	wrdreg s24  }
0xb1: {  	[dreg:$0x4] =	wrdreg s2  }
0xb2: {  	[dreg:$0x5] =	wrdreg $0xA8000  }
0xb3: {  	[dreg:$0x6] =	wrdreg $0x9  }
0xb4: {  	_ =	task.clear_ibuf [dreg:s8], $0x7FFFF;
	_ =	strace $0x90000046  }
0xb5: {  	s29 =	simm.s32 $0x9;
	_ =	strace $0x80000048  }
0xb6: {  	_ =	swait.ge [sflag:s29], $0x1  }
0xb7: {  	[sflag:s29] =	ssyncadd.s32 $0xFFFFFFFF  }
0xb8: {  	_ =	strace $0x90000048  }
0xb9: {  	_ =	sfence  }
0xba: {  	s30 =	sld [smem:$0x0];
	_ =	sdelay $0x2  }
0xbb: {  	s31 =	sshll.u32 s1, $0xD;
	s1 =	sshrl.u32 s1, $0x2  }
0xbc: {  	s3 =	sand.u32 $0x4000, s31;
	s1 =	sadd.s32 s1, s30  }
0xbd: {  	s0 =	sor.u32 s3, s0;
	s1 =	sshll.u32 s1, $0x11  }
0xbe: {  	s0 =	sor.u32 s1, s0  }
0xbf: {  	s0 =	sadd.s32 $0x8F2B, s0  }
0xc0: {  	[sflag:s0] =	ssyncadd.remote.s32 $0x1  }
0xc1: {  	_ =	sfence.sel $0xFFFF  }
0xc2: {  	[dreg:$0x0] =	wrdreg $0xFFFFFFFF;
	(pc) =	sbr.abs _section_cstart, $3  }
0xc3: {  	[dreg:$0x1] =	wrdreg $0xFFFFFFFF  }
0xc4: {  	_ =	task.clear_ibuf [dreg:s8], $0x2FFFF;
	_ =	strace $0x9FFFFFFF  }
0xc5: {  	(tm) =	ssettm $0x7FFFFFFF  }
tec
execute0_lowered:
.L_overlay_start_1:
0x0: {  	(tag) =	ssettag $0x1  }
0x1: {  	s0 =	rddreg [dreg:$0x0]  }
0x2: {  	s3 =	rddreg [dreg:$0x1]  }
0x3: {  	s1 =	rddreg [dreg:$0x2]  }
0x4: {  	s2 =	rddreg [dreg:$0x3]  }
0x5: {  	s4 =	srdreg.scid;
	s9 =	stileid.u32  }
0x6: {  	s21 =	simm.s32 $0x2800;
	s28 =	simm.s32 $0x2;
	s29 =	simm.s32 $0x3  }
0x7: {  	s30 =	simm.s32 $0x4;
	s31 =	simm.s32 $0x2700;
	s7 =	smul.u32 $0x14000, s9  }
0x8: {  	s5 =	sand.u32 $0x1, s4;
	s4 =	simm.s32 $0x0;
	s22 =	smul.u32 $0x50000, s9  }
0x9: {  	s11 =	sadd.s32 $0xC00, s3;
	s8 =	sadd.s32 $0xAC00, s3;
	s6 =	smul.u32 $0x140000, s5  }
0xa: {  	[smem:$0x7FF] =	sst s4;
	s23 =	ssub.s32 $0x2, s5;
	s5 =	sshll.u32 s5, $0x4  }
0xb: {  	_ =	strace $0x80000047;
	[dreg:$0x5] =	wrdreg s8;
	s24 =	sshrl.u32 s23, $0x1  }
0xc: {  	s5 =	sor.u32 s9, s5;
	s6 =	sadd.s32 s7, s6;
	s7 =	sshrl.u32 s22, $0x2  }
0xd: {  	s16 =	ssub.s32 s23, s24;
	s5 =	smul.u32 $0x2800, s5;
	s22 =	simm.s32 $0x5  }
0xe: {  	s23 =	simm.s32 $0x1400;
	s24 =	simm.s32 $0x80;
	s6 =	sshrl.u32 s6, $0x3  }
0xf: {  	s16 =	smax.u32 s16, $0x1;
	s3 =	sadd.s32 s6, s3;
	s6 =	sadd.s32 s7, s2  }
0x10: {  	s26 =	sshrl.u32 s5, $0x3;
	s7 =	sadd.s32 $0x4000, s6;
	s8 =	sadd.s32 $0x8000, s6  }
0x11: {  	s9 =	sadd.s32 $0xC000, s6;
	s10 =	sadd.s32 $0x10000, s6;
	s12 =	sadd.s32 $0xB400, s3  }
0x12: {  	s25 =	sadd.s32 $0xBC00, s3;
	s13 =	sadd.s32 $0xC400, s3;
	s14 =	sadd.s32 $0xCC00, s3  }
0x13: {  	s15 =	sadd.s32 $0xD400, s3;
	s17 =	sadd.s32 s0, s26;
	s5 =	sadd.s32 $0x280, s26  }
0x14: {  	s18 =	sadd.s32 s11, s26;
	s26 =	simm.s32 $0x1;
	[dreg:$0x6] =	wrdreg s12  }
0x15: {  	s3 =	simm.s32 $0x0;
	[dreg:$0x7] =	wrdreg s25;
	s19 =	sadd.s32 s0, s5  }
0x16: {  	s20 =	sadd.s32 s11, s5;
	s25 =	simm.s32 $0x6800;
	s0 =	simm.s32 $0x2780  }
.LBB2_1:
0x17: {  	s5 =	rddreg [dreg:$0x5]  }
0x18: {  	[tilespmem:s21], [sflag:$0x5] =	stream.linear.gather [hbm4b:s5+s4], $0x4000, $0x38;
	[tilespmem:$0x1E800] =	vst v63  }
0x19: {  	_ =	swait.ge [sflag:s22], $0x4000  }
0x1a: {  	[sflag:s22] =	ssyncset.done $0x0  }
0x1b: {  	[sflag:s22] =	ssyncadd.s32 $0xFFFFC000  }
0x1c: {  	[spmem:s6] =	stream.linear.scatter [tilespmem:s21], [sflag:$0x5], $0x4000, $0x38;
	[tilespmem:$0x1E800] =	vst v63  }
0x1d: {  	_ =	swait.ge [sflag:s22], $0x4000  }
0x1e: {  	[sflag:s22] =	ssyncset.done $0x0  }
0x1f: {  	[sflag:s22] =	ssyncadd.s32 $0xFFFFC000  }
0x20: {  	[spmem:s7] =	stream.linear.scatter [tilespmem:s21], [sflag:$0x5], $0x4000, $0x38;
	[tilespmem:$0x1E800] =	vst v63  }
0x21: {  	_ =	swait.ge [sflag:s22], $0x4000  }
0x22: {  	[sflag:s22] =	ssyncset.done $0x0  }
0x23: {  	[sflag:s22] =	ssyncadd.s32 $0xFFFFC000  }
0x24: {  	[spmem:s8] =	stream.linear.scatter [tilespmem:s21], [sflag:$0x5], $0x4000, $0x38;
	[tilespmem:$0x1E800] =	vst v63  }
0x25: {  	_ =	swait.ge [sflag:s22], $0x4000  }
0x26: {  	[sflag:s22] =	ssyncset.done $0x0  }
0x27: {  	[sflag:s22] =	ssyncadd.s32 $0xFFFFC000  }
0x28: {  	[spmem:s9] =	stream.linear.scatter [tilespmem:s21], [sflag:$0x5], $0x4000, $0x38;
	[tilespmem:$0x1E800] =	vst v63  }
0x29: {  	_ =	swait.ge [sflag:s22], $0x4000  }
0x2a: {  	[sflag:s22] =	ssyncset.done $0x0  }
0x2b: {  	[sflag:s22] =	ssyncadd.s32 $0xFFFFC000  }
0x2c: {  	[spmem:s10] =	stream.linear.scatter [tilespmem:s21], [sflag:$0x5], $0x4000, $0x38;
	[tilespmem:$0x1E800] =	vst v63  }
0x2d: {  	_ =	swait.ge [sflag:s22], $0x4000  }
0x2e: {  	[sflag:s22] =	ssyncset.done $0x0  }
0x2f: {  	[sflag:s22] =	ssyncadd.s32 $0xFFFFC000  }
0x30: {  	[bflag:$0x0] =	sbarrier.arrive $0xFFFF  }
0x31: {  	[tilespmem:s4], [sflag:$0x5] =	stream.linear.gather [hbm4b:s17+s4], $0x1400, $0x38;
	[tilespmem:$0x1E800] =	vst v63  }
0x32: {  	_ =	swait.ge [sflag:s22], $0x1400  }
0x33: {  	[sflag:s22] =	ssyncset.done $0x0  }
0x34: {  	[sflag:s22] =	ssyncadd.s32 $0xFFFFEC00  }
0x35: {  	[tilespmem:s23], [sflag:$0x5] =	stream.linear.gather [hbm4b:s18+s4], $0x1400, $0x38;
	[tilespmem:$0x1E800] =	vst v63  }
0x36: {  	_ =	swait.ge [sflag:s22], $0x1400  }
0x37: {  	[sflag:s22] =	ssyncset.done $0x0  }
0x38: {  	[sflag:s22] =	ssyncadd.s32 $0xFFFFEC00  }
0x39: {  	[tilespmem:s21], [sflag:$0x1] =	stream.indirect.gather [hbm4b:s1+s24], $0x80, s4, s24, $0xb8;
	[tilespmem:$0x1E800] =	vst v63  }
0x3a: {  	_ = 	snop  }
0x3b: {  	[tilespmem:s25], [sflag:$0x2] =	stream.indirect.gather [hbm4b:s1+s24], $0x80, s24, s24, $0xb8;
	[tilespmem:$0x1E800] =	vst v63  }
0x3c: {  	_ =	swait.ge [sflag:s26], $0x4000  }
0x3d: {  	[sflag:s26] =	ssyncset.done $0x0  }
0x3e: {  	s12 =	simm.s32 $0x1400;
	[sflag:s26] =	ssyncadd.s32 $0xFFFFC000  }
0x3f: {  	[spmem:s2] =	stream.indirect.scatter.add.f32 [tilespmem:s21], [sflag:$0x3], $0x80, s12, s24, $0xb8;
	[tilespmem:$0x1E800] =	vst v63  }
0x40: {  	_ =	swait.ge [sflag:s28], $0x4000  }
0x41: {  	[sflag:s28] =	ssyncset.done $0x0  }
0x42: {  	s11 =	simm.s32 $0x1480;
	[sflag:s28] =	ssyncadd.s32 $0xFFFFC000  }
0x43: {  	[spmem:s2] =	stream.indirect.scatter.add.f32 [tilespmem:s25], [sflag:$0x4], $0x80, s11, s24, $0xb8;
	[tilespmem:$0x1E800] =	vst v63  }
0x44: {  	_ =	swait.ge [sflag:s29], $0x4000  }
0x45: {  	[sflag:s29] =	ssyncset.done $0x0  }
0x46: {  	s12 =	simm.s32 $0x100;
	[sflag:s29] =	ssyncadd.s32 $0xFFFFC000  }
0x47: {  	[tilespmem:s21], [sflag:$0x1] =	stream.indirect.gather [hbm4b:s1+s24], $0x80, s12, s24, $0xb8;
	[tilespmem:$0x1E800] =	vst v63  }
0x48: {  	_ =	swait.ge [sflag:s30], $0x4000  }
0x49: {  	[sflag:s30] =	ssyncset.done $0x0  }
0x4a: {  	s5 =	simm.s32 $0x400;
	s11 =	simm.s32 $0x180;
	[sflag:s30] =	ssyncadd.s32 $0xFFFFC000  }
.LBB2_2:
0x4b: {  	[tilespmem:s25], [sflag:$0x2] =	stream.indirect.gather [hbm4b:s1+s24], $0x80, s11, s24, $0xb8;
	[tilespmem:$0x1E800] =	vst v63  }
0x4c: {  	s11 =	smov.u32 s5  }
0x4d: {  	p0 =	sne.s32 s5, $0x4800;
	s5 =	sadd.s32 $0x400, s5;
	_ =	swait.ge [sflag:s26], $0x4000  }
0x4e: {  	s11 =	sshra.s32 s11, $0x2;
	[sflag:s26] =	ssyncset.done $0x0  }
0x4f: {  	s12 =	sadd.s32 $0x1400, s11;
	[sflag:s26] =	ssyncadd.s32 $0xFFFFC000  }
0x50: {  	[spmem:s2] =	stream.indirect.scatter.add.f32 [tilespmem:s21], [sflag:$0x3], $0x80, s12, s24, $0xb8;
	[tilespmem:$0x1E800] =	vst v63  }
0x51: {  	_ =	swait.ge [sflag:s28], $0x4000  }
0x52: {  	[sflag:s28] =	ssyncset.done $0x0  }
0x53: {  	s12 =	sadd.s32 $0x1480, s11;
	[sflag:s28] =	ssyncadd.s32 $0xFFFFC000  }
0x54: {  	[spmem:s2] =	stream.indirect.scatter.add.f32 [tilespmem:s25], [sflag:$0x4], $0x80, s12, s24, $0xb8;
	[tilespmem:$0x1E800] =	vst v63  }
0x55: {  	_ =	swait.ge [sflag:s29], $0x4000  }
0x56: {  	[sflag:s29] =	ssyncset.done $0x0  }
.Ltmp0:
0x57: {  	s12 =	sadd.s32 $0x100, s11;
	[sflag:s29] =	ssyncadd.s32 $0xFFFFC000;
	(pc) =	sbr.rel @p0 .LBB2_2-.Ltmp0, $4  }
0x58: {  	[tilespmem:s21], [sflag:$0x1] =	stream.indirect.gather [hbm4b:s1+s24], $0x80, s12, s24, $0xb8;
	[tilespmem:$0x1E800] =	vst v63  }
0x59: {  	_ =	swait.ge [sflag:s30], $0x4000  }
0x5a: {  	[sflag:s30] =	ssyncset.done $0x0  }
0x5b: {  	s11 =	sadd.s32 $0x180, s11;
	[sflag:s30] =	ssyncadd.s32 $0xFFFFC000  }
0x5c: {  	[tilespmem:s25], [sflag:$0x2] =	stream.indirect.gather [hbm4b:s1+s24], $0x80, s11, s24, $0xb8;
	[tilespmem:$0x1E800] =	vst v63  }
0x5d: {  	_ =	swait.ge [sflag:s26], $0x4000  }
0x5e: {  	[sflag:s26] =	ssyncset.done $0x0  }
0x5f: {  	[sflag:s26] =	ssyncadd.s32 $0xFFFFC000  }
0x60: {  	[spmem:s2] =	stream.indirect.scatter.add.f32 [tilespmem:s21], [sflag:$0x3], $0x80, s31, s24, $0xb8;
	[tilespmem:$0x1E800] =	vst v63  }
0x61: {  	_ =	swait.ge [sflag:s28], $0x4000  }
0x62: {  	[sflag:s28] =	ssyncset.done $0x0  }
0x63: {  	[sflag:s28] =	ssyncadd.s32 $0xFFFFC000  }
0x64: {  	[spmem:s2] =	stream.indirect.scatter.add.f32 [tilespmem:s25], [sflag:$0x4], $0x80, s0, s24, $0xb8;
	[tilespmem:$0x1E800] =	vst v63  }
0x65: {  	_ =	swait.ge [sflag:s29], $0x4000  }
0x66: {  	[sflag:s29] =	ssyncset.done $0x0  }
0x67: {  	[sflag:s29] =	ssyncadd.s32 $0xFFFFC000  }
0x68: {  	_ =	swait.ge [sflag:s30], $0x4000  }
0x69: {  	[sflag:s30] =	ssyncset.done $0x0  }
0x6a: {  	s5 =	simm.s32 $0x0;
	[sflag:s30] =	ssyncadd.s32 $0xFFFFC000  }
0x6b: {  	[tilespmem:s5], [sflag:$0x5] =	stream.linear.gather [hbm4b:s19+s5], $0x1400, $0x38;
	[tilespmem:$0x1E800] =	vst v63  }
0x6c: {  	_ =	swait.ge [sflag:s22], $0x1400  }
0x6d: {  	[sflag:s22] =	ssyncset.done $0x0  }
0x6e: {  	[sflag:s22] =	ssyncadd.s32 $0xFFFFEC00  }
0x6f: {  	[tilespmem:s23], [sflag:$0x5] =	stream.linear.gather [hbm4b:s20+s5], $0x1400, $0x38;
	[tilespmem:$0x1E800] =	vst v63  }
0x70: {  	_ =	swait.ge [sflag:s22], $0x1400  }
0x71: {  	[sflag:s22] =	ssyncset.done $0x0  }
0x72: {  	[sflag:s22] =	ssyncadd.s32 $0xFFFFEC00  }
0x73: {  	[tilespmem:s21], [sflag:$0x1] =	stream.indirect.gather [hbm4b:s1+s24], $0x80, s5, s24, $0xb8;
	[tilespmem:$0x1E800] =	vst v63  }
0x74: {  	_ = 	snop  }
0x75: {  	[tilespmem:s25], [sflag:$0x2] =	stream.indirect.gather [hbm4b:s1+s24], $0x80, s24, s24, $0xb8;
	[tilespmem:$0x1E800] =	vst v63  }
0x76: {  	_ =	swait.ge [sflag:s26], $0x4000  }
0x77: {  	[sflag:s26] =	ssyncset.done $0x0  }
0x78: {  	s12 =	simm.s32 $0x1400;
	[sflag:s26] =	ssyncadd.s32 $0xFFFFC000  }
0x79: {  	[spmem:s2] =	stream.indirect.scatter.add.f32 [tilespmem:s21], [sflag:$0x3], $0x80, s12, s24, $0xb8;
	[tilespmem:$0x1E800] =	vst v63  }
0x7a: {  	_ =	swait.ge [sflag:s28], $0x4000  }
0x7b: {  	[sflag:s28] =	ssyncset.done $0x0  }
0x7c: {  	s11 =	simm.s32 $0x1480;
	[sflag:s28] =	ssyncadd.s32 $0xFFFFC000  }
0x7d: {  	[spmem:s2] =	stream.indirect.scatter.add.f32 [tilespmem:s25], [sflag:$0x4], $0x80, s11, s24, $0xb8;
	[tilespmem:$0x1E800] =	vst v63  }
0x7e: {  	_ =	swait.ge [sflag:s29], $0x4000  }
0x7f: {  	[sflag:s29] =	ssyncset.done $0x0  }
0x80: {  	s12 =	simm.s32 $0x100;
	[sflag:s29] =	ssyncadd.s32 $0xFFFFC000  }
0x81: {  	[tilespmem:s21], [sflag:$0x1] =	stream.indirect.gather [hbm4b:s1+s24], $0x80, s12, s24, $0xb8;
	[tilespmem:$0x1E800] =	vst v63  }
0x82: {  	_ =	swait.ge [sflag:s30], $0x4000  }
0x83: {  	[sflag:s30] =	ssyncset.done $0x0  }
0x84: {  	s5 =	simm.s32 $0x400;
	s11 =	simm.s32 $0x180;
	[sflag:s30] =	ssyncadd.s32 $0xFFFFC000  }
.LBB2_4:
0x85: {  	[tilespmem:s25], [sflag:$0x2] =	stream.indirect.gather [hbm4b:s1+s24], $0x80, s11, s24, $0xb8;
	[tilespmem:$0x1E800] =	vst v63  }
0x86: {  	s11 =	smov.u32 s5  }
0x87: {  	p0 =	sne.s32 s5, $0x4800;
	s5 =	sadd.s32 $0x400, s5;
	_ =	swait.ge [sflag:s26], $0x4000  }
0x88: {  	s11 =	sshra.s32 s11, $0x2;
	[sflag:s26] =	ssyncset.done $0x0  }
0x89: {  	s12 =	sadd.s32 $0x1400, s11;
	[sflag:s26] =	ssyncadd.s32 $0xFFFFC000  }
0x8a: {  	[spmem:s2] =	stream.indirect.scatter.add.f32 [tilespmem:s21], [sflag:$0x3], $0x80, s12, s24, $0xb8;
	[tilespmem:$0x1E800] =	vst v63  }
0x8b: {  	_ =	swait.ge [sflag:s28], $0x4000  }
0x8c: {  	[sflag:s28] =	ssyncset.done $0x0  }
0x8d: {  	s12 =	sadd.s32 $0x1480, s11;
	[sflag:s28] =	ssyncadd.s32 $0xFFFFC000  }
0x8e: {  	[spmem:s2] =	stream.indirect.scatter.add.f32 [tilespmem:s25], [sflag:$0x4], $0x80, s12, s24, $0xb8;
	[tilespmem:$0x1E800] =	vst v63  }
0x8f: {  	_ =	swait.ge [sflag:s29], $0x4000  }
0x90: {  	[sflag:s29] =	ssyncset.done $0x0  }
.Ltmp1:
0x91: {  	s12 =	sadd.s32 $0x100, s11;
	[sflag:s29] =	ssyncadd.s32 $0xFFFFC000;
	(pc) =	sbr.rel @p0 .LBB2_4-.Ltmp1, $4  }
0x92: {  	[tilespmem:s21], [sflag:$0x1] =	stream.indirect.gather [hbm4b:s1+s24], $0x80, s12, s24, $0xb8;
	[tilespmem:$0x1E800] =	vst v63  }
0x93: {  	_ =	swait.ge [sflag:s30], $0x4000  }
0x94: {  	[sflag:s30] =	ssyncset.done $0x0  }
0x95: {  	s11 =	sadd.s32 $0x180, s11;
	[sflag:s30] =	ssyncadd.s32 $0xFFFFC000  }
0x96: {  	[tilespmem:s25], [sflag:$0x2] =	stream.indirect.gather [hbm4b:s1+s24], $0x80, s11, s24, $0xb8;
	[tilespmem:$0x1E800] =	vst v63  }
0x97: {  	_ =	swait.ge [sflag:s26], $0x4000  }
0x98: {  	[sflag:s26] =	ssyncset.done $0x0  }
0x99: {  	[sflag:s26] =	ssyncadd.s32 $0xFFFFC000  }
0x9a: {  	[spmem:s2] =	stream.indirect.scatter.add.f32 [tilespmem:s21], [sflag:$0x3], $0x80, s31, s24, $0xb8;
	[tilespmem:$0x1E800] =	vst v63  }
0x9b: {  	_ =	swait.ge [sflag:s28], $0x4000  }
0x9c: {  	[sflag:s28] =	ssyncset.done $0x0  }
0x9d: {  	[sflag:s28] =	ssyncadd.s32 $0xFFFFC000  }
0x9e: {  	[spmem:s2] =	stream.indirect.scatter.add.f32 [tilespmem:s25], [sflag:$0x4], $0x80, s0, s24, $0xb8;
	[tilespmem:$0x1E800] =	vst v63  }
0x9f: {  	_ =	swait.ge [sflag:s29], $0x4000  }
0xa0: {  	[sflag:s29] =	ssyncset.done $0x0  }
0xa1: {  	[sflag:s29] =	ssyncadd.s32 $0xFFFFC000  }
0xa2: {  	_ =	swait.ge [sflag:s30], $0x4000  }
0xa3: {  	[sflag:s30] =	ssyncset.done $0x0  }
0xa4: {  	[sflag:s30] =	ssyncadd.s32 $0xFFFFC000  }
0xa5: {  	[bflag:$0x0] =	sbarrier.arrive $0xFFFF  }
0xa6: {  	[tilespmem:s21], [sflag:$0x5] =	stream.linear.gather [spmem:s6], $0x4000, $0x38;
	[tilespmem:$0x1E800] =	vst v63  }
0xa7: {  	_ =	swait.ge [sflag:s22], $0x4000  }
0xa8: {  	[sflag:s22] =	ssyncset.done $0x0  }
0xa9: {  	s5 =	rddreg [dreg:$0x6];
	[sflag:s22] =	ssyncadd.s32 $0xFFFFC000  }
0xaa: {  	[hbm4b:s5+s4] =	stream.linear.scatter [tilespmem:s21], [sflag:$0x5], $0x4000, $0x38;
	[tilespmem:$0x1E800] =	vst v63  }
0xab: {  	_ =	swait.ge [sflag:s22], $0x4000  }
0xac: {  	[sflag:s22] =	ssyncset.done $0x0  }
0xad: {  	[sflag:s22] =	ssyncadd.s32 $0xFFFFC000  }
0xae: {  	[tilespmem:s21], [sflag:$0x5] =	stream.linear.gather [spmem:s7], $0x4000, $0x38;
	[tilespmem:$0x1E800] =	vst v63  }
0xaf: {  	_ =	swait.ge [sflag:s22], $0x4000  }
0xb0: {  	[sflag:s22] =	ssyncset.done $0x0  }
0xb1: {  	s12 =	rddreg [dreg:$0x7];
	[sflag:s22] =	ssyncadd.s32 $0xFFFFC000  }
0xb2: {  	[hbm4b:s12+s4] =	stream.linear.scatter [tilespmem:s21], [sflag:$0x5], $0x4000, $0x38;
	[tilespmem:$0x1E800] =	vst v63  }
0xb3: {  	_ =	swait.ge [sflag:s22], $0x4000  }
0xb4: {  	[sflag:s22] =	ssyncset.done $0x0  }
0xb5: {  	[sflag:s22] =	ssyncadd.s32 $0xFFFFC000  }
0xb6: {  	[tilespmem:s21], [sflag:$0x5] =	stream.linear.gather [spmem:s8], $0x4000, $0x38;
	[tilespmem:$0x1E800] =	vst v63  }
0xb7: {  	_ =	swait.ge [sflag:s22], $0x4000  }
0xb8: {  	[sflag:s22] =	ssyncset.done $0x0  }
0xb9: {  	[sflag:s22] =	ssyncadd.s32 $0xFFFFC000  }
0xba: {  	[hbm4b:s13+s4] =	stream.linear.scatter [tilespmem:s21], [sflag:$0x5], $0x4000, $0x38;
	[tilespmem:$0x1E800] =	vst v63  }
0xbb: {  	_ =	swait.ge [sflag:s22], $0x4000  }
0xbc: {  	[sflag:s22] =	ssyncset.done $0x0  }
0xbd: {  	[sflag:s22] =	ssyncadd.s32 $0xFFFFC000  }
0xbe: {  	[tilespmem:s21], [sflag:$0x5] =	stream.linear.gather [spmem:s9], $0x4000, $0x38;
	[tilespmem:$0x1E800] =	vst v63  }
0xbf: {  	_ =	swait.ge [sflag:s22], $0x4000  }
0xc0: {  	[sflag:s22] =	ssyncset.done $0x0  }
0xc1: {  	[sflag:s22] =	ssyncadd.s32 $0xFFFFC000  }
0xc2: {  	[hbm4b:s14+s4] =	stream.linear.scatter [tilespmem:s21], [sflag:$0x5], $0x4000, $0x38;
	[tilespmem:$0x1E800] =	vst v63  }
0xc3: {  	_ =	swait.ge [sflag:s22], $0x4000  }
0xc4: {  	[sflag:s22] =	ssyncset.done $0x0  }
0xc5: {  	[sflag:s22] =	ssyncadd.s32 $0xFFFFC000  }
0xc6: {  	[tilespmem:s21], [sflag:$0x5] =	stream.linear.gather [spmem:s10], $0x4000, $0x38;
	[tilespmem:$0x1E800] =	vst v63  }
0xc7: {  	s3 =	sadd.s32 $0x1, s3;
	_ =	swait.ge [sflag:s22], $0x4000  }
0xc8: {  	p0 =	sne.s32 s3, s16;
	[sflag:s22] =	ssyncset.done $0x0  }
.Ltmp2:
0xc9: {  	[sflag:s22] =	ssyncadd.s32 $0xFFFFC000;
	(pc) =	sbr.rel @p0 .LBB2_1-.Ltmp2, $4  }
0xca: {  	[hbm4b:s15+s4] =	stream.linear.scatter [tilespmem:s21], [sflag:$0x5], $0x4000, $0x38;
	[tilespmem:$0x1E800] =	vst v63  }
0xcb: {  	_ =	swait.ge [sflag:s22], $0x4000  }
0xcc: {  	[sflag:s22] =	ssyncset.done $0x0  }
0xcd: {  	[sflag:s22] =	ssyncadd.s32 $0xFFFFC000  }
0xce: {  	_ =	sfence.sel $0x180000  }
0xcf: {  	[bflag:$0x0] =	sbarrier.arrive $0xFFFF  }
0xd0: {  	_ =	strace $0x90000047  }
0xd1: {  	s0 =	stileid.u32;
	[bflag:$0x2] =	sbarrier.arrive $0xFFFF  }
0xd2: {  	p0 =	sne.s32 s0, $0x0;
	s0 =	rddreg [dreg:$0x4]  }
0xd3: {  	s0 =	sadd.s32 @!p0 $0x100000, s0  }
0xd4: {  	[sflag:s0] =	ssyncadd.tile.s32 @!p0 $0x1;
	_ =	shalt  }
.Lfunc_end2:
_tile_overlayer_lowered:
.L_overlay_start_2:
0xd5: {  	(tag) =	ssettag $0x2  }
0xd6: {  	s0 =	rddreg [dreg:$0x0];
	s2 =	stileid.u32  }
0xd7: {  	s1 =	rddreg [dreg:$0x1];
	p0 =	sne.s32 s2, $0x0  }
0xd8: {  	s3 =	rddreg [dreg:$0x2];
	[bflag:$0x3] =	sbarrier.arrive $0xFFFF;
	s2 =	simm.s32 @!p0 $0x1C05  }
0xd9: {  	[timem:s3], [sflag:s2] =	dma.local @!p0 [hbm:s0], s1  }
0xda: {  	s0 =	simm.s32 @!p0 $0x5  }
0xdb: {  	_ =	swait.ge @!p0 [sflag:s0], s1  }
0xdc: {  	s1 =	ssub.s32 @!p0 $0x0, s1;
	[sflag:s0] =	ssyncset.done @!p0 $0x0  }
0xdd: {  	[sflag:s0] =	ssyncadd.s32 @!p0 s1  }
0xde: {  	[bflag:$0x3] =	sbarrier.arrive $0xFFFF  }
0xdf: {  	_ =	shalt  }

</sc_bundles>
